<compile_context>
chip_gen: v7x
topology: tpu7x:2x2x1
jax: 0.10.2.dev20260603
libtpu: 0.0.44.dev20260713+nightly
codegen_flags: <defaults>
</compile_context>

<pallas_src>
import functools

import jax
import jax.numpy as jnp
from jax import lax
from jax.experimental import pallas as pl
from jax.experimental.pallas import tpu as pltpu
from jax.experimental.pallas import tpu_sc as plsc

ALPHA = 0.25
BETA = 0.25

RB = 1024
CB = 2048


def _k1_body(x_ref, cb_ref, zn_ref, cn_ref, idx_ref, *, num_codes: int):
    xm2 = x_ref[...] * -2.0
    zn = zn_ref[...][:, 0]
    nchunks = num_codes // CB

    def step(j, carry):
        bd, bi = carry
        c = cb_ref[pl.ds(j * CB, CB), :]
        zc = lax.dot_general(
            xm2, c, (((1,), (1,)), ((), ())),
            preferred_element_type=jnp.float32,
            precision=lax.Precision.DEFAULT)

        cn = cn_ref[0, pl.ds(j * CB, CB)]
        s = (zn[:, None] + zc) + cn[None, :]
        m = jnp.min(s, axis=1)
        ii = lax.broadcasted_iota(jnp.int32, (RB, CB), 1)
        cand = jnp.where(s == m[:, None], ii, num_codes)
        a = jnp.min(cand, axis=1) + j * CB
        take = (m < bd) | ((m == bd) & (a < bi))
        nbd = jnp.where(take, m, bd)
        nbd = nbd.astype(jnp.bfloat16).astype(jnp.float32)
        return nbd, jnp.where(take, a, bi)

    init = (jnp.full((RB,), jnp.inf, jnp.float32),
            jnp.zeros((RB,), jnp.int32))
    _, bi = lax.fori_loop(0, nchunks, step, init)
    idx_ref[...] = bi


def _k1(flat, codebook, zn, cn):
    n, d = flat.shape
    num_codes = codebook.shape[0]
    grid = (n // RB,)
    return pl.pallas_call(
        functools.partial(_k1_body, num_codes=num_codes),
        grid=grid,
        in_specs=[
            pl.BlockSpec((RB, d), lambda i: (i, 0)),
            pl.BlockSpec((num_codes, d), lambda i: (0, 0)),
            pl.BlockSpec((RB, 1), lambda i: (i, 0)),
            pl.BlockSpec((1, num_codes), lambda i: (0, 0)),
        ],
        out_specs=pl.BlockSpec((RB,), lambda i: (i,)),
        out_shape=jax.ShapeDtypeStruct((n,), jnp.int32),
    )(flat, codebook, zn, cn)


K4_CB = 2048


K4_RB = 512





_NC, _NS, _L = 2, 16, 16
_NW = _NC * _NS
_ROWS_PER_TXN = 128


def _make_k2(n, d, num_codes):
    bpw = n // _NW
    ntxn = bpw // _ROWS_PER_TXN
    mesh = plsc.VectorSubcoreMesh(core_axis_name="c", subcore_axis_name="s")

    @functools.partial(
        pl.kernel,
        out_type=jax.ShapeDtypeStruct((n, d), jnp.float32),
        mesh=mesh,
        scratch_types=[
            [pltpu.VMEM((_ROWS_PER_TXN,), jnp.int32) for _ in range(ntxn)],
            [pltpu.VMEM((_ROWS_PER_TXN, d), jnp.float32) for _ in range(ntxn)],
            pltpu.SemaphoreType.DMA,
        ],
    )
    def k2(idx_hbm, cb_hbm, zq_hbm, idx_vs, rows_vs, sem):
        c = lax.axis_index("c")
        s = lax.axis_index("s")
        wid = s * _NC + c
        base = wid * bpw

        for j in range(ntxn):
            pltpu.sync_copy(idx_hbm.at[wid * ntxn + j], idx_vs[j])
        copies = [pltpu.async_copy(cb_hbm.at[idx_vs[j]], rows_vs[j], sem)
                  for j in range(ntxn)]
        for j in range(ntxn):
            copies[j].wait()
            pltpu.sync_copy(rows_vs[j],
                            zq_hbm.at[pl.ds(base + j * _ROWS_PER_TXN,
                                            _ROWS_PER_TXN)])

    return k2



K3_RB = 1024


def _k3_body(ze_ref, zq_ref, idx_ref, zqst_ref, loss_ref, ppl_ref,
             acc_ref, ent_ref, *, nsteps: int, n: int, d: int,
             num_codes: int):
    i = pl.program_id(0)
    ze = ze_ref[...]
    zq = zq_ref[...]
    zqst_ref[...] = ze + (zq - ze)
    blk = jnp.sum((ze - zq) ** 2)

    ccs = num_codes // nsteps
    codes = lax.broadcasted_iota(jnp.int32, (ccs, 512), 0) + i * ccs
    cnt = jnp.zeros((ccs,), jnp.float32)
    for k in range(n // 512):
        bi = idx_ref[pl.ds(k * 512, 512)]
        cnt = cnt + jnp.sum((codes == bi[None, :]).astype(jnp.float32), axis=1)
    p = cnt * (1.0 / jnp.float32(n))
    ent_blk = jnp.sum(p * jnp.log(p + 1e-10))

    @pl.when(i == 0)
    def _():
        acc_ref[0, 0] = blk
        ent_ref[0, 0] = ent_blk

    @pl.when(i > 0)
    def _():
        acc_ref[0, 0] = acc_ref[0, 0] + blk
        ent_ref[0, 0] = ent_ref[0, 0] + ent_blk

    @pl.when(i == nsteps - 1)
    def _():
        m = acc_ref[0, 0] / jnp.float32(n * d)
        loss_ref[...] = jnp.reshape(ALPHA * (m + BETA * m), (1, 1))
        ppl_ref[...] = jnp.reshape(jnp.exp(-(ent_ref[0, 0])), (1, 1))


def _k3(flat, zq, idx):
    n, d = flat.shape
    num_codes = 8192
    nsteps = n // K3_RB
    return pl.pallas_call(
        functools.partial(_k3_body, nsteps=nsteps, n=n, d=d,
                          num_codes=num_codes),
        grid=(nsteps,),
        in_specs=[
            pl.BlockSpec((K3_RB, d), lambda i: (i, 0)),
            pl.BlockSpec((K3_RB, d), lambda i: (i, 0)),
            pl.BlockSpec((n,), lambda i: (0,)),
        ],
        out_specs=[
            pl.BlockSpec((K3_RB, d), lambda i: (i, 0)),
            pl.BlockSpec((1, 1), lambda i: (0, 0)),
            pl.BlockSpec((1, 1), lambda i: (0, 0)),
        ],
        out_shape=[
            jax.ShapeDtypeStruct((n, d), jnp.float32),
            jax.ShapeDtypeStruct((1, 1), jnp.float32),
            jax.ShapeDtypeStruct((1, 1), jnp.float32),
        ],
        scratch_shapes=[pltpu.SMEM((1, 1), jnp.float32),
                        pltpu.SMEM((1, 1), jnp.float32)],
    )(flat, zq, idx)


def kernel(z_e, codebook):
    b, nseq, d = z_e.shape
    n = b * nseq
    num_codes = codebook.shape[0]
    flat = z_e.reshape(n, d)
    zn = jnp.sum(flat * flat, axis=1, keepdims=True)
    cn = jnp.sum(codebook * codebook, axis=1)[None, :]

    idx = _k1(flat, codebook, zn, cn)
    idx2d = idx.reshape(n // 128, 128)
    zq = _make_k2(n, d, num_codes)(idx2d, codebook)
    zqst, loss, ppl = _k3(flat, zq, idx)
    return (zqst.reshape(b, nseq, d),
            loss.reshape(()),
            ppl.reshape(()))

# --- scband reference (transcript-rebuilt; emitter-appended) ---
"""Pipeline reference for scband-vqtorch-wrapper-86431921864995 (READ-ONLY COPY).

The authoritative reference and input builder live on the scoring server;
editing this copy changes nothing except your own understanding.
"""

import jax, jax.numpy as jnp
import numpy as np

ALPHA = 0.25
BETA = 0.25
NUM_CODES = 8192
CODE_DIM = 256


def setup_inputs(seed: int = 0) -> dict:
    key = jax.random.key(seed)
    k1, k2 = jax.random.split(key)
    z_e = jax.random.normal(k1, (8, 1024, 256), dtype=jnp.float32)
    codebook = jax.random.normal(k2, (NUM_CODES, CODE_DIM), dtype=jnp.float32) * 0.02
    return {"z_e": z_e, "codebook": codebook}


def reference(z_e, codebook):
    B, N, D = z_e.shape
    flat = z_e.reshape(-1, D)
    # squared L2 distances to every code: ||z||^2 - 2 z.c + ||c||^2
    d2 = (jnp.sum(flat * flat, axis=1, keepdims=True)
          - 2.0 * (flat @ codebook.T)
          + jnp.sum(codebook * codebook, axis=1)[None, :])
    idx = jnp.argmin(d2, axis=1)
    z_q = jnp.take(codebook, idx, axis=0).reshape(B, N, D)
    # VQ loss: codebook loss + beta * commitment loss
    commit = jnp.mean((z_e - jax.lax.stop_gradient(z_q)) ** 2)
    cb_loss = jnp.mean((jax.lax.stop_gradient(z_e) - z_q) ** 2)
    loss = cb_loss + BETA * commit
    # straight-through estimator
    z_q_st = z_e + jax.lax.stop_gradient(z_q - z_e)
    # perplexity of code usage
    counts = jnp.bincount(idx, length=NUM_CODES)
    probs = counts.astype(jnp.float32) / jnp.float32(idx.shape[0])
    perplexity = jnp.exp(-jnp.sum(probs * jnp.log(probs + 1e-10)))
    return (z_q_st, ALPHA * loss, perplexity)

if __name__ == "__main__":
    import jax
    _d = setup_inputs()
    print(jax.jit(kernel)(*tuple(_d.values())))

</pallas_src>

<mosaic_0001>
#map = affine_map<(d0, d1) -> (0, 0)>
module attributes {stable_mosaic.version = 14 : i64} {
  func.func @k2(%arg0: i32, %arg1: i32, %arg2: memref<64x128xi32, #tpu.memory_space<hbm>>, %arg3: memref<8192x256xf32, #tpu.memory_space<hbm>>, %arg4: memref<8192x256xf32, #tpu.memory_space<hbm>>, %arg5: memref<128xi32, #tpu.memory_space<vmem>>, %arg6: memref<128xi32, #tpu.memory_space<vmem>>, %arg7: memref<128x256xf32, #tpu.memory_space<vmem>>, %arg8: memref<128x256xf32, #tpu.memory_space<vmem>>, %arg9: memref<!tpu.dma_semaphore, #tpu.memory_space<semaphore_mem>>) attributes {dimension_semantics = [#tpu.dimension_semantics<core_parallel>, #tpu.dimension_semantics<subcore_parallel>], iteration_bounds = array<i64: 2, 16>, scalar_prefetch = 0 : i64, scratch_operands = 5 : i64, tpu.core_type = #tpu.core_type<sc_vector_subcore>, window_params = [{transform_indices = #map}, {transform_indices = #map}, {transform_indices = #map}]} {
    %mul3A = arith.constant 2 : i32
    %mul3A_0 = arith.muli %arg1, %mul3A : i32
    %add3A = arith.addi %mul3A_0, %arg0 : i32
    %mul3A_1 = arith.constant 256 : i32
    %mul3A_2 = arith.muli %add3A, %mul3A_1 : i32
    %mul3A_3 = arith.constant 2 : i32
    %mul3A_4 = arith.muli %add3A, %mul3A_3 : i32
    %add3A_5 = arith.constant 0 : i32
    %add3A_6 = arith.addi %mul3A_4, %add3A_5 : i32
    "tpu.region"() ({
      %run_scoped3A = tpu.sem_alloc : memref<!tpu.dma_semaphore, #tpu.memory_space<semaphore_mem>>
      %dma_start3A_25 = arith.constant 0 : i32
      %dma_start3A_26 = tpu.memref_slice %arg2[%add3A_6, %dma_start3A_25] : memref<64x128xi32, #tpu.memory_space<hbm>> -> memref<1x128xi32, #tpu.memory_space<hbm>>
      %dma_start3A_27 = tpu.memref_squeeze %dma_start3A_26 : memref<1x128xi32, #tpu.memory_space<hbm>> -> memref<128xi32, #tpu.memory_space<hbm>>
      %dma_start3A_28 = arith.constant 0 : i32
      %dma_start3A_29 = tpu.memref_slice %arg2[%add3A_6, %dma_start3A_28] : memref<64x128xi32, #tpu.memory_space<hbm>> -> memref<1x128xi32, #tpu.memory_space<hbm>>
      %dma_start3A_30 = tpu.memref_squeeze %dma_start3A_29 : memref<1x128xi32, #tpu.memory_space<hbm>> -> memref<128xi32, #tpu.memory_space<hbm>>
      tpu.enqueue_dma source(%dma_start3A_30 : memref<128xi32, #tpu.memory_space<hbm>>) target(%arg5 : memref<128xi32, #tpu.memory_space<vmem>>) target_semaphore(%run_scoped3A : memref<!tpu.dma_semaphore, #tpu.memory_space<semaphore_mem>>)
      %dma_wait3A_31 = arith.constant 0 : i32
      %dma_wait3A_32 = tpu.memref_slice %arg2[%add3A_6, %dma_wait3A_31] : memref<64x128xi32, #tpu.memory_space<hbm>> -> memref<1x128xi32, #tpu.memory_space<hbm>>
      %dma_wait3A_33 = tpu.memref_squeeze %dma_wait3A_32 : memref<1x128xi32, #tpu.memory_space<hbm>> -> memref<128xi32, #tpu.memory_space<hbm>>
      %dma_wait3A_34 = arith.constant 0 : i32
      %dma_wait3A_35 = tpu.memref_slice %arg2[%add3A_6, %dma_wait3A_34] : memref<64x128xi32, #tpu.memory_space<hbm>> -> memref<1x128xi32, #tpu.memory_space<hbm>>
      %dma_wait3A_36 = tpu.memref_squeeze %dma_wait3A_35 : memref<1x128xi32, #tpu.memory_space<hbm>> -> memref<128xi32, #tpu.memory_space<hbm>>
      tpu.wait_dma2 semaphore(%run_scoped3A : memref<!tpu.dma_semaphore, #tpu.memory_space<semaphore_mem>>) src(%dma_wait3A_36 : memref<128xi32, #tpu.memory_space<hbm>>) dst(%arg5 : memref<128xi32, #tpu.memory_space<vmem>>)
      tpu.yield
    }) : () -> ()
    %mul3A_7 = arith.constant 2 : i32
    %mul3A_8 = arith.muli %add3A, %mul3A_7 : i32
    %add3A_9 = arith.constant 1 : i32
    %add3A_10 = arith.addi %mul3A_8, %add3A_9 : i32
    "tpu.region"() ({
      %run_scoped3A = tpu.sem_alloc : memref<!tpu.dma_semaphore, #tpu.memory_space<semaphore_mem>>
      %dma_start3A_25 = arith.constant 0 : i32
      %dma_start3A_26 = tpu.memref_slice %arg2[%add3A_10, %dma_start3A_25] : memref<64x128xi32, #tpu.memory_space<hbm>> -> memref<1x128xi32, #tpu.memory_space<hbm>>
      %dma_start3A_27 = tpu.memref_squeeze %dma_start3A_26 : memref<1x128xi32, #tpu.memory_space<hbm>> -> memref<128xi32, #tpu.memory_space<hbm>>
      %dma_start3A_28 = arith.constant 0 : i32
      %dma_start3A_29 = tpu.memref_slice %arg2[%add3A_10, %dma_start3A_28] : memref<64x128xi32, #tpu.memory_space<hbm>> -> memref<1x128xi32, #tpu.memory_space<hbm>>
      %dma_start3A_30 = tpu.memref_squeeze %dma_start3A_29 : memref<1x128xi32, #tpu.memory_space<hbm>> -> memref<128xi32, #tpu.memory_space<hbm>>
      tpu.enqueue_dma source(%dma_start3A_30 : memref<128xi32, #tpu.memory_space<hbm>>) target(%arg6 : memref<128xi32, #tpu.memory_space<vmem>>) target_semaphore(%run_scoped3A : memref<!tpu.dma_semaphore, #tpu.memory_space<semaphore_mem>>)
      %dma_wait3A_31 = arith.constant 0 : i32
      %dma_wait3A_32 = tpu.memref_slice %arg2[%add3A_10, %dma_wait3A_31] : memref<64x128xi32, #tpu.memory_space<hbm>> -> memref<1x128xi32, #tpu.memory_space<hbm>>
      %dma_wait3A_33 = tpu.memref_squeeze %dma_wait3A_32 : memref<1x128xi32, #tpu.memory_space<hbm>> -> memref<128xi32, #tpu.memory_space<hbm>>
      %dma_wait3A_34 = arith.constant 0 : i32
      %dma_wait3A_35 = tpu.memref_slice %arg2[%add3A_10, %dma_wait3A_34] : memref<64x128xi32, #tpu.memory_space<hbm>> -> memref<1x128xi32, #tpu.memory_space<hbm>>
      %dma_wait3A_36 = tpu.memref_squeeze %dma_wait3A_35 : memref<1x128xi32, #tpu.memory_space<hbm>> -> memref<128xi32, #tpu.memory_space<hbm>>
      tpu.wait_dma2 semaphore(%run_scoped3A : memref<!tpu.dma_semaphore, #tpu.memory_space<semaphore_mem>>) src(%dma_wait3A_36 : memref<128xi32, #tpu.memory_space<hbm>>) dst(%arg6 : memref<128xi32, #tpu.memory_space<vmem>>)
      tpu.yield
    }) : () -> ()
    %dma_start3A = arith.constant 0 : i32
    %dma_start3A_11 = arith.constant 0 : i32
    %dma_start3A_12 = tpu.memref_slice %arg3[%dma_start3A, %dma_start3A_11] : memref<8192x256xf32, #tpu.memory_space<hbm>> -> memref<8192x256xf32, #tpu.memory_space<hbm>>
    tpu.enqueue_indirect_dma source(%dma_start3A_12 : memref<8192x256xf32, #tpu.memory_space<hbm>>) target(%arg7 : memref<128x256xf32, #tpu.memory_space<vmem>>) offsets(%arg5 : memref<128xi32, #tpu.memory_space<vmem>>) semaphore(%arg9 : memref<!tpu.dma_semaphore, #tpu.memory_space<semaphore_mem>>)
    %dma_start3A_13 = arith.constant 0 : i32
    %dma_start3A_14 = arith.constant 0 : i32
    %dma_start3A_15 = tpu.memref_slice %arg3[%dma_start3A_13, %dma_start3A_14] : memref<8192x256xf32, #tpu.memory_space<hbm>> -> memref<8192x256xf32, #tpu.memory_space<hbm>>
    tpu.enqueue_indirect_dma source(%dma_start3A_15 : memref<8192x256xf32, #tpu.memory_space<hbm>>) target(%arg8 : memref<128x256xf32, #tpu.memory_space<vmem>>) offsets(%arg6 : memref<128xi32, #tpu.memory_space<vmem>>) semaphore(%arg9 : memref<!tpu.dma_semaphore, #tpu.memory_space<semaphore_mem>>)
    %dma_wait3A = arith.constant 0 : i32
    %dma_wait3A_16 = arith.constant 0 : i32
    %dma_wait3A_17 = tpu.memref_slice %arg3[%dma_wait3A, %dma_wait3A_16] : memref<8192x256xf32, #tpu.memory_space<hbm>> -> memref<8192x256xf32, #tpu.memory_space<hbm>>
    tpu.wait_indirect_dma semaphore(%arg9 : memref<!tpu.dma_semaphore, #tpu.memory_space<semaphore_mem>>) src(%dma_wait3A_17 : memref<8192x256xf32, #tpu.memory_space<hbm>>) dst(%arg7 : memref<128x256xf32, #tpu.memory_space<vmem>>)
    %add3A_18 = arith.constant 0 : i32
    %add3A_19 = arith.addi %mul3A_2, %add3A_18 : i32
    "tpu.region"() ({
      %run_scoped3A = tpu.sem_alloc : memref<!tpu.dma_semaphore, #tpu.memory_space<semaphore_mem>>
      %dma_start3A_25 = arith.constant 0 : i32
      %dma_start3A_26 = tpu.memref_slice %arg4[%add3A_19, %dma_start3A_25] : memref<8192x256xf32, #tpu.memory_space<hbm>> -> memref<128x256xf32, #tpu.memory_space<hbm>>
      %dma_start3A_27 = arith.constant 0 : i32
      %dma_start3A_28 = tpu.memref_slice %arg4[%add3A_19, %dma_start3A_27] : memref<8192x256xf32, #tpu.memory_space<hbm>> -> memref<128x256xf32, #tpu.memory_space<hbm>>
      tpu.enqueue_dma source(%arg7 : memref<128x256xf32, #tpu.memory_space<vmem>>) target(%dma_start3A_28 : memref<128x256xf32, #tpu.memory_space<hbm>>) target_semaphore(%run_scoped3A : memref<!tpu.dma_semaphore, #tpu.memory_space<semaphore_mem>>)
      %dma_wait3A_29 = arith.constant 0 : i32
      %dma_wait3A_30 = tpu.memref_slice %arg4[%add3A_19, %dma_wait3A_29] : memref<8192x256xf32, #tpu.memory_space<hbm>> -> memref<128x256xf32, #tpu.memory_space<hbm>>
      %dma_wait3A_31 = arith.constant 0 : i32
      %dma_wait3A_32 = tpu.memref_slice %arg4[%add3A_19, %dma_wait3A_31] : memref<8192x256xf32, #tpu.memory_space<hbm>> -> memref<128x256xf32, #tpu.memory_space<hbm>>
      tpu.wait_dma2 semaphore(%run_scoped3A : memref<!tpu.dma_semaphore, #tpu.memory_space<semaphore_mem>>) src(%arg7 : memref<128x256xf32, #tpu.memory_space<vmem>>) dst(%dma_wait3A_32 : memref<128x256xf32, #tpu.memory_space<hbm>>)
      tpu.yield
    }) : () -> ()
    %dma_wait3A_20 = arith.constant 0 : i32
    %dma_wait3A_21 = arith.constant 0 : i32
    %dma_wait3A_22 = tpu.memref_slice %arg3[%dma_wait3A_20, %dma_wait3A_21] : memref<8192x256xf32, #tpu.memory_space<hbm>> -> memref<8192x256xf32, #tpu.memory_space<hbm>>
    tpu.wait_indirect_dma semaphore(%arg9 : memref<!tpu.dma_semaphore, #tpu.memory_space<semaphore_mem>>) src(%dma_wait3A_22 : memref<8192x256xf32, #tpu.memory_space<hbm>>) dst(%arg8 : memref<128x256xf32, #tpu.memory_space<vmem>>)
    %add3A_23 = arith.constant 128 : i32
    %add3A_24 = arith.addi %mul3A_2, %add3A_23 : i32
    "tpu.region"() ({
      %run_scoped3A = tpu.sem_alloc : memref<!tpu.dma_semaphore, #tpu.memory_space<semaphore_mem>>
      %dma_start3A_25 = arith.constant 0 : i32
      %dma_start3A_26 = tpu.memref_slice %arg4[%add3A_24, %dma_start3A_25] : memref<8192x256xf32, #tpu.memory_space<hbm>> -> memref<128x256xf32, #tpu.memory_space<hbm>>
      %dma_start3A_27 = arith.constant 0 : i32
      %dma_start3A_28 = tpu.memref_slice %arg4[%add3A_24, %dma_start3A_27] : memref<8192x256xf32, #tpu.memory_space<hbm>> -> memref<128x256xf32, #tpu.memory_space<hbm>>
      tpu.enqueue_dma source(%arg8 : memref<128x256xf32, #tpu.memory_space<vmem>>) target(%dma_start3A_28 : memref<128x256xf32, #tpu.memory_space<hbm>>) target_semaphore(%run_scoped3A : memref<!tpu.dma_semaphore, #tpu.memory_space<semaphore_mem>>)
      %dma_wait3A_29 = arith.constant 0 : i32
      %dma_wait3A_30 = tpu.memref_slice %arg4[%add3A_24, %dma_wait3A_29] : memref<8192x256xf32, #tpu.memory_space<hbm>> -> memref<128x256xf32, #tpu.memory_space<hbm>>
      %dma_wait3A_31 = arith.constant 0 : i32
      %dma_wait3A_32 = tpu.memref_slice %arg4[%add3A_24, %dma_wait3A_31] : memref<8192x256xf32, #tpu.memory_space<hbm>> -> memref<128x256xf32, #tpu.memory_space<hbm>>
      tpu.wait_dma2 semaphore(%run_scoped3A : memref<!tpu.dma_semaphore, #tpu.memory_space<semaphore_mem>>) src(%arg8 : memref<128x256xf32, #tpu.memory_space<vmem>>) dst(%dma_wait3A_32 : memref<128x256xf32, #tpu.memory_space<hbm>>)
      tpu.yield
    }) : () -> ()
    return
  }
}

module attributes {stable_mosaic.version = 14 : i64} {
  func.func @_k1_body(%arg0: i32, %arg1: memref<1024x256xf32, #tpu.memory_space<vmem>>, %arg2: memref<8192x256xf32, #tpu.memory_space<vmem>>, %arg3: memref<1024x1xf32, #tpu.memory_space<vmem>>, %arg4: memref<1x8192xf32, #tpu.memory_space<vmem>>, %arg5: memref<1024xi32, #tpu.memory_space<vmem>>) attributes {dimension_semantics = [#tpu.dimension_semantics<arbitrary>], iteration_bounds = array<i64: 8>, scalar_prefetch = 0 : i64, scratch_operands = 0 : i64, tpu.core_type = #tpu.core_type<tc>, window_params = [{transform_indices = @transform_0, window_bounds = array<i64: 1024, 256>}, {pipeline_mode = #tpu.pipeline_mode<synchronous>, transform_indices = @transform_1, window_bounds = array<i64: 8192, 256>}, {transform_indices = @transform_2, window_bounds = array<i64: 1024, 1>}, {pipeline_mode = #tpu.pipeline_mode<synchronous>, transform_indices = @transform_3, window_bounds = array<i64: 1, 8192>}, {transform_indices = @transform_4, window_bounds = array<i64: 1024>}]} {
    %get3A = arith.constant 0 : index
    %get3A_0 = arith.constant 0 : index
    %get3A_1 = vector.load %arg1[%get3A, %get3A_0] : memref<1024x256xf32, #tpu.memory_space<vmem>>, vector<1024x256xf32>
    %mul3A = arith.constant -2.000000e+00 : f32
    %mul3A_2 = vector.broadcast %mul3A : f32 to vector<1024x256xf32>
    %mul3A_3 = arith.mulf %get3A_1, %mul3A_2 : vector<1024x256xf32>
    %get3A_4 = arith.constant 0 : index
    %get3A_5 = arith.constant 0 : index
    %get3A_6 = vector.load %arg3[%get3A_4, %get3A_5] : memref<1024x1xf32, #tpu.memory_space<vmem>>, vector<1024x1xf32>
    %squeeze3A = vector.shape_cast %get3A_6 : vector<1024x1xf32> to vector<1024xf32>
    %broadcast_in_dim3A = arith.constant 0x7F800000 : f32
    %broadcast_in_dim3A_7 = vector.broadcast %broadcast_in_dim3A : f32 to vector<1024xf32>
    %broadcast_in_dim3A_8 = arith.constant 0 : i32
    %broadcast_in_dim3A_9 = vector.broadcast %broadcast_in_dim3A_8 : i32 to vector<1024xi32>
    %scan3A = arith.constant 0 : i32
    %scan3A_10 = arith.constant 4 : i32
    %scan3A_11 = arith.addi %scan3A, %scan3A_10 : i32
    %scan3A_12 = arith.constant 1 : i32
    %scan3A_13:2 = scf.for %scan3A_16 = %scan3A to %scan3A_11 step %scan3A_12 iter_args(%scan3A_17 = %broadcast_in_dim3A_7, %scan3A_18 = %broadcast_in_dim3A_9) -> (vector<1024xf32>, vector<1024xi32>)  : i32 {
      %mul3A_19 = arith.constant 2048 : i32
      %mul3A_20 = arith.muli %scan3A_16, %mul3A_19 : i32
      %get3A_21 = arith.index_cast %mul3A_20 : i32 to index
      %get3A_22 = arith.constant 0 : index
      %get3A_23 = vector.load %arg2[%get3A_21, %get3A_22] : memref<8192x256xf32, #tpu.memory_space<vmem>>, vector<2048x256xf32>
      %dot_general3A = arith.constant dense<0.000000e+00> : vector<1024x2048xf32>
      %dot_general3A_24 = tpu.matmul %mul3A_3, %get3A_23, %dot_general3A {dimension_numbers = #tpu.dot_dimension_numbers<[1], [1], [0], [0], [0, 0, 1, 0], [], []>, transpose_lhs_hint = false} : vector<1024x256xf32>, vector<2048x256xf32>, vector<1024x2048xf32> -> vector<1024x2048xf32>
      %mul3A_25 = arith.constant 2048 : i32
      %mul3A_26 = arith.muli %scan3A_16, %mul3A_25 : i32
      %get3A_27 = arith.constant 0 : index
      %get3A_28 = arith.index_cast %mul3A_26 : i32 to index
      %get3A_29 = vector.load %arg4[%get3A_27, %get3A_28] : memref<1x8192xf32, #tpu.memory_space<vmem>>, vector<1x2048xf32>
      %get3A_30 = vector.shape_cast %get3A_29 : vector<1x2048xf32> to vector<2048xf32>
      %broadcast_in_dim3A_31 = vector.shape_cast %squeeze3A : vector<1024xf32> to vector<1024x1xf32>
      %add3A = vector.broadcast %broadcast_in_dim3A_31 : vector<1024x1xf32> to vector<1024x2048xf32>
      %add3A_32 = arith.addf %add3A, %dot_general3A_24 : vector<1024x2048xf32>
      %broadcast_in_dim3A_33 = vector.shape_cast %get3A_30 : vector<2048xf32> to vector<1x2048xf32>
      %add3A_34 = vector.broadcast %broadcast_in_dim3A_33 : vector<1x2048xf32> to vector<1024x2048xf32>
      %add3A_35 = arith.addf %add3A_32, %add3A_34 : vector<1024x2048xf32>
      %reduce_min3A = arith.constant dense<0x7F800000> : vector<1024xf32>
      %reduce_min3A_36 = vector.multi_reduction <minimumf>, %add3A_35, %reduce_min3A [1] : vector<1024x2048xf32> to vector<1024xf32>
      %iota3A = tpu.iota {dimensions = array<i32: 1>} : vector<1024x2048xi32>
      %broadcast_in_dim3A_37 = vector.shape_cast %reduce_min3A_36 : vector<1024xf32> to vector<1024x1xf32>
      %eq3A = vector.broadcast %broadcast_in_dim3A_37 : vector<1024x1xf32> to vector<1024x2048xf32>
      %eq3A_38 = arith.cmpf oeq, %add3A_35, %eq3A : vector<1024x2048xf32>
      %jit3A = arith.constant 8192 : i32
      %broadcast_in_dim3A_39 = vector.broadcast %jit3A : i32 to vector<1024x2048xi32>
      %select_n3A = arith.select %eq3A_38, %iota3A, %broadcast_in_dim3A_39 : vector<1024x2048xi1>, vector<1024x2048xi32>
      %reduce_min3A_40 = arith.constant dense<2147483647> : vector<1024xi32>
      %reduce_min3A_41 = vector.multi_reduction <minsi>, %select_n3A, %reduce_min3A_40 [1] : vector<1024x2048xi32> to vector<1024xi32>
      %mul3A_42 = arith.constant 2048 : i32
      %mul3A_43 = arith.muli %scan3A_16, %mul3A_42 : i32
      %add3A_44 = vector.broadcast %mul3A_43 : i32 to vector<1024xi32>
      %add3A_45 = arith.addi %reduce_min3A_41, %add3A_44 : vector<1024xi32>
      %lt3A = arith.cmpf olt, %reduce_min3A_36, %scan3A_17 : vector<1024xf32>
      %eq3A_46 = arith.cmpf oeq, %reduce_min3A_36, %scan3A_17 : vector<1024xf32>
      %lt3A_47 = arith.cmpi slt, %add3A_45, %scan3A_18 : vector<1024xi32>
      %and3A = arith.andi %eq3A_46, %lt3A_47 : vector<1024xi1>
      %or3A = arith.ori %lt3A, %and3A : vector<1024xi1>
      %select_n3A_48 = arith.select %or3A, %reduce_min3A_36, %scan3A_17 : vector<1024xi1>, vector<1024xf32>
      %convert_element_type3A = arith.truncf %select_n3A_48 : vector<1024xf32> to vector<1024xbf16>
      %convert_element_type3A_49 = arith.extf %convert_element_type3A : vector<1024xbf16> to vector<1024xf32>
      %select_n3A_50 = arith.select %or3A, %add3A_45, %scan3A_18 : vector<1024xi1>, vector<1024xi32>
      scf.yield %convert_element_type3A_49, %select_n3A_50 : vector<1024xf32>, vector<1024xi32>
    }
    %scan3A_14 = arith.constant 4 : i32
    %swap3A = arith.constant 0 : index
    %swap3A_15 = vector.load %arg5[%swap3A] : memref<1024xi32, #tpu.memory_space<vmem>>, vector<1024xi32>
    tpu.vector_store %arg5[%swap3A], %scan3A_13#1 {strides = array<i32>} : memref<1024xi32, #tpu.memory_space<vmem>>, vector<1024xi32>,
    return
  }
  func.func @transform_0(%arg0: i32) -> (i32, i32) {
    %c0_i32 = arith.constant 0 : i32
    %c0_i32_0 = arith.constant 0 : i32
    return %arg0, %c0_i32 : i32, i32
  }
  func.func @transform_1(%arg0: i32) -> (i32, i32) {
    %c0_i32 = arith.constant 0 : i32
    %c0_i32_0 = arith.constant 0 : i32
    %c0_i32_1 = arith.constant 0 : i32
    return %c0_i32, %c0_i32_0 : i32, i32
  }
  func.func @transform_2(%arg0: i32) -> (i32, i32) {
    %c0_i32 = arith.constant 0 : i32
    %c0_i32_0 = arith.constant 0 : i32
    return %arg0, %c0_i32 : i32, i32
  }
  func.func @transform_3(%arg0: i32) -> (i32, i32) {
    %c0_i32 = arith.constant 0 : i32
    %c0_i32_0 = arith.constant 0 : i32
    %c0_i32_1 = arith.constant 0 : i32
    return %c0_i32, %c0_i32_0 : i32, i32
  }
  func.func @transform_4(%arg0: i32) -> i32 {
    %c0_i32 = arith.constant 0 : i32
    return %arg0 : i32
  }
}

module attributes {stable_mosaic.version = 14 : i64} {
  func.func @_k3_body(%arg0: i32, %arg1: memref<1024x256xf32, #tpu.memory_space<vmem>>, %arg2: memref<1024x256xf32, #tpu.memory_space<vmem>>, %arg3: memref<8192xi32, #tpu.memory_space<vmem>>, %arg4: memref<1024x256xf32, #tpu.memory_space<vmem>>, %arg5: memref<1x1xf32, #tpu.memory_space<vmem>>, %arg6: memref<1x1xf32, #tpu.memory_space<vmem>>, %arg7: memref<1x1xf32, #tpu.memory_space<smem>>, %arg8: memref<1x1xf32, #tpu.memory_space<smem>>) attributes {dimension_semantics = [#tpu.dimension_semantics<arbitrary>], iteration_bounds = array<i64: 8>, scalar_prefetch = 0 : i64, scratch_operands = 2 : i64, tpu.core_type = #tpu.core_type<tc>, window_params = [{transform_indices = @transform_0, window_bounds = array<i64: 1024, 256>}, {transform_indices = @transform_1, window_bounds = array<i64: 1024, 256>}, {pipeline_mode = #tpu.pipeline_mode<synchronous>, transform_indices = @transform_2, window_bounds = array<i64: 8192>}, {transform_indices = @transform_3, window_bounds = array<i64: 1024, 256>}, {pipeline_mode = #tpu.pipeline_mode<synchronous>, transform_indices = @transform_4, window_bounds = array<i64: 1, 1>}, {pipeline_mode = #tpu.pipeline_mode<synchronous>, transform_indices = @transform_5, window_bounds = array<i64: 1, 1>}]} {
    %get3A = arith.constant 0 : index
    %get3A_0 = arith.constant 0 : index
    %get3A_1 = vector.load %arg1[%get3A, %get3A_0] : memref<1024x256xf32, #tpu.memory_space<vmem>>, vector<1024x256xf32>
    %get3A_2 = arith.constant 0 : index
    %get3A_3 = arith.constant 0 : index
    %get3A_4 = vector.load %arg2[%get3A_2, %get3A_3] : memref<1024x256xf32, #tpu.memory_space<vmem>>, vector<1024x256xf32>
    %sub3A = arith.subf %get3A_4, %get3A_1 : vector<1024x256xf32>
    %add3A = arith.addf %get3A_1, %sub3A : vector<1024x256xf32>
    %swap3A = arith.constant 0 : index
    %swap3A_5 = arith.constant 0 : index
    %swap3A_6 = vector.load %arg4[%swap3A, %swap3A_5] : memref<1024x256xf32, #tpu.memory_space<vmem>>, vector<1024x256xf32>
    tpu.vector_store %arg4[%swap3A, %swap3A_5], %add3A {strides = array<i32>} : memref<1024x256xf32, #tpu.memory_space<vmem>>, vector<1024x256xf32>,
    %sub3A_7 = arith.subf %get3A_1, %get3A_4 : vector<1024x256xf32>
    %integer_pow3A = arith.mulf %sub3A_7, %sub3A_7 : vector<1024x256xf32>
    %reduce_sum3A = vector.shape_cast %integer_pow3A : vector<1024x256xf32> to vector<1x1024x256xf32>
    %reduce_sum3A_8 = arith.constant dense<0.000000e+00> : vector<1xf32>
    %reduce_sum3A_9 = vector.multi_reduction <add>, %reduce_sum3A, %reduce_sum3A_8 [1, 2] : vector<1x1024x256xf32> to vector<1xf32>
    %reduce_sum3A_10 = vector.shape_cast %reduce_sum3A_9 : vector<1xf32> to vector<1x1x1xf32>
    %reduce_sum3A_11 = vector.extract %reduce_sum3A_10[0, 0, 0] : f32 from vector<1x1x1xf32>
    %iota3A = tpu.iota {dimensions = array<i32: 0>} : vector<1024x512xi32>
    %mul3A = arith.constant 1024 : i32
    %mul3A_12 = arith.muli %arg0, %mul3A : i32
    %add3A_13 = vector.broadcast %mul3A_12 : i32 to vector<1024x512xi32>
    %add3A_14 = arith.addi %iota3A, %add3A_13 : vector<1024x512xi32>
    %broadcast_in_dim3A = arith.constant 0.000000e+00 : f32
    %broadcast_in_dim3A_15 = vector.broadcast %broadcast_in_dim3A : f32 to vector<1024xf32>
    %get3A_16 = arith.constant 0 : index
    %get3A_17 = vector.load %arg3[%get3A_16] : memref<8192xi32, #tpu.memory_space<vmem>>, vector<512xi32>
    %broadcast_in_dim3A_18 = vector.shape_cast %get3A_17 : vector<512xi32> to vector<1x512xi32>
    %eq3A = vector.broadcast %broadcast_in_dim3A_18 : vector<1x512xi32> to vector<1024x512xi32>
    %eq3A_19 = arith.cmpi eq, %add3A_14, %eq3A : vector<1024x512xi32>
    %convert_element_type3A = arith.extui %eq3A_19 : vector<1024x512xi1> to vector<1024x512xi32>
    %convert_element_type3A_20 = arith.sitofp %convert_element_type3A : vector<1024x512xi32> to vector<1024x512xf32>
    %reduce_sum3A_21 = arith.constant dense<0.000000e+00> : vector<1024xf32>
    %reduce_sum3A_22 = vector.multi_reduction <add>, %convert_element_type3A_20, %reduce_sum3A_21 [1] : vector<1024x512xf32> to vector<1024xf32>
    %add3A_23 = arith.addf %broadcast_in_dim3A_15, %reduce_sum3A_22 : vector<1024xf32>
    %get3A_24 = arith.constant 512 : index
    %get3A_25 = vector.load %arg3[%get3A_24] : memref<8192xi32, #tpu.memory_space<vmem>>, vector<512xi32>
    %broadcast_in_dim3A_26 = vector.shape_cast %get3A_25 : vector<512xi32> to vector<1x512xi32>
    %eq3A_27 = vector.broadcast %broadcast_in_dim3A_26 : vector<1x512xi32> to vector<1024x512xi32>
    %eq3A_28 = arith.cmpi eq, %add3A_14, %eq3A_27 : vector<1024x512xi32>
    %convert_element_type3A_29 = arith.extui %eq3A_28 : vector<1024x512xi1> to vector<1024x512xi32>
    %convert_element_type3A_30 = arith.sitofp %convert_element_type3A_29 : vector<1024x512xi32> to vector<1024x512xf32>
    %reduce_sum3A_31 = arith.constant dense<0.000000e+00> : vector<1024xf32>
    %reduce_sum3A_32 = vector.multi_reduction <add>, %convert_element_type3A_30, %reduce_sum3A_31 [1] : vector<1024x512xf32> to vector<1024xf32>
    %add3A_33 = arith.addf %add3A_23, %reduce_sum3A_32 : vector<1024xf32>
    %get3A_34 = arith.constant 1024 : index
    %get3A_35 = vector.load %arg3[%get3A_34] : memref<8192xi32, #tpu.memory_space<vmem>>, vector<512xi32>
    %broadcast_in_dim3A_36 = vector.shape_cast %get3A_35 : vector<512xi32> to vector<1x512xi32>
    %eq3A_37 = vector.broadcast %broadcast_in_dim3A_36 : vector<1x512xi32> to vector<1024x512xi32>
    %eq3A_38 = arith.cmpi eq, %add3A_14, %eq3A_37 : vector<1024x512xi32>
    %convert_element_type3A_39 = arith.extui %eq3A_38 : vector<1024x512xi1> to vector<1024x512xi32>
    %convert_element_type3A_40 = arith.sitofp %convert_element_type3A_39 : vector<1024x512xi32> to vector<1024x512xf32>
    %reduce_sum3A_41 = arith.constant dense<0.000000e+00> : vector<1024xf32>
    %reduce_sum3A_42 = vector.multi_reduction <add>, %convert_element_type3A_40, %reduce_sum3A_41 [1] : vector<1024x512xf32> to vector<1024xf32>
    %add3A_43 = arith.addf %add3A_33, %reduce_sum3A_42 : vector<1024xf32>
    %get3A_44 = arith.constant 1536 : index
    %get3A_45 = vector.load %arg3[%get3A_44] : memref<8192xi32, #tpu.memory_space<vmem>>, vector<512xi32>
    %broadcast_in_dim3A_46 = vector.shape_cast %get3A_45 : vector<512xi32> to vector<1x512xi32>
    %eq3A_47 = vector.broadcast %broadcast_in_dim3A_46 : vector<1x512xi32> to vector<1024x512xi32>
    %eq3A_48 = arith.cmpi eq, %add3A_14, %eq3A_47 : vector<1024x512xi32>
    %convert_element_type3A_49 = arith.extui %eq3A_48 : vector<1024x512xi1> to vector<1024x512xi32>
    %convert_element_type3A_50 = arith.sitofp %convert_element_type3A_49 : vector<1024x512xi32> to vector<1024x512xf32>
    %reduce_sum3A_51 = arith.constant dense<0.000000e+00> : vector<1024xf32>
    %reduce_sum3A_52 = vector.multi_reduction <add>, %convert_element_type3A_50, %reduce_sum3A_51 [1] : vector<1024x512xf32> to vector<1024xf32>
    %add3A_53 = arith.addf %add3A_43, %reduce_sum3A_52 : vector<1024xf32>
    %get3A_54 = arith.constant 2048 : index
    %get3A_55 = vector.load %arg3[%get3A_54] : memref<8192xi32, #tpu.memory_space<vmem>>, vector<512xi32>
    %broadcast_in_dim3A_56 = vector.shape_cast %get3A_55 : vector<512xi32> to vector<1x512xi32>
    %eq3A_57 = vector.broadcast %broadcast_in_dim3A_56 : vector<1x512xi32> to vector<1024x512xi32>
    %eq3A_58 = arith.cmpi eq, %add3A_14, %eq3A_57 : vector<1024x512xi32>
    %convert_element_type3A_59 = arith.extui %eq3A_58 : vector<1024x512xi1> to vector<1024x512xi32>
    %convert_element_type3A_60 = arith.sitofp %convert_element_type3A_59 : vector<1024x512xi32> to vector<1024x512xf32>
    %reduce_sum3A_61 = arith.constant dense<0.000000e+00> : vector<1024xf32>
    %reduce_sum3A_62 = vector.multi_reduction <add>, %convert_element_type3A_60, %reduce_sum3A_61 [1] : vector<1024x512xf32> to vector<1024xf32>
    %add3A_63 = arith.addf %add3A_53, %reduce_sum3A_62 : vector<1024xf32>
    %get3A_64 = arith.constant 2560 : index
    %get3A_65 = vector.load %arg3[%get3A_64] : memref<8192xi32, #tpu.memory_space<vmem>>, vector<512xi32>
    %broadcast_in_dim3A_66 = vector.shape_cast %get3A_65 : vector<512xi32> to vector<1x512xi32>
    %eq3A_67 = vector.broadcast %broadcast_in_dim3A_66 : vector<1x512xi32> to vector<1024x512xi32>
    %eq3A_68 = arith.cmpi eq, %add3A_14, %eq3A_67 : vector<1024x512xi32>
    %convert_element_type3A_69 = arith.extui %eq3A_68 : vector<1024x512xi1> to vector<1024x512xi32>
    %convert_element_type3A_70 = arith.sitofp %convert_element_type3A_69 : vector<1024x512xi32> to vector<1024x512xf32>
    %reduce_sum3A_71 = arith.constant dense<0.000000e+00> : vector<1024xf32>
    %reduce_sum3A_72 = vector.multi_reduction <add>, %convert_element_type3A_70, %reduce_sum3A_71 [1] : vector<1024x512xf32> to vector<1024xf32>
    %add3A_73 = arith.addf %add3A_63, %reduce_sum3A_72 : vector<1024xf32>
    %get3A_74 = arith.constant 3072 : index
    %get3A_75 = vector.load %arg3[%get3A_74] : memref<8192xi32, #tpu.memory_space<vmem>>, vector<512xi32>
    %broadcast_in_dim3A_76 = vector.shape_cast %get3A_75 : vector<512xi32> to vector<1x512xi32>
    %eq3A_77 = vector.broadcast %broadcast_in_dim3A_76 : vector<1x512xi32> to vector<1024x512xi32>
    %eq3A_78 = arith.cmpi eq, %add3A_14, %eq3A_77 : vector<1024x512xi32>
    %convert_element_type3A_79 = arith.extui %eq3A_78 : vector<1024x512xi1> to vector<1024x512xi32>
    %convert_element_type3A_80 = arith.sitofp %convert_element_type3A_79 : vector<1024x512xi32> to vector<1024x512xf32>
    %reduce_sum3A_81 = arith.constant dense<0.000000e+00> : vector<1024xf32>
    %reduce_sum3A_82 = vector.multi_reduction <add>, %convert_element_type3A_80, %reduce_sum3A_81 [1] : vector<1024x512xf32> to vector<1024xf32>
    %add3A_83 = arith.addf %add3A_73, %reduce_sum3A_82 : vector<1024xf32>
    %get3A_84 = arith.constant 3584 : index
    %get3A_85 = vector.load %arg3[%get3A_84] : memref<8192xi32, #tpu.memory_space<vmem>>, vector<512xi32>
    %broadcast_in_dim3A_86 = vector.shape_cast %get3A_85 : vector<512xi32> to vector<1x512xi32>
    %eq3A_87 = vector.broadcast %broadcast_in_dim3A_86 : vector<1x512xi32> to vector<1024x512xi32>
    %eq3A_88 = arith.cmpi eq, %add3A_14, %eq3A_87 : vector<1024x512xi32>
    %convert_element_type3A_89 = arith.extui %eq3A_88 : vector<1024x512xi1> to vector<1024x512xi32>
    %convert_element_type3A_90 = arith.sitofp %convert_element_type3A_89 : vector<1024x512xi32> to vector<1024x512xf32>
    %reduce_sum3A_91 = arith.constant dense<0.000000e+00> : vector<1024xf32>
    %reduce_sum3A_92 = vector.multi_reduction <add>, %convert_element_type3A_90, %reduce_sum3A_91 [1] : vector<1024x512xf32> to vector<1024xf32>
    %add3A_93 = arith.addf %add3A_83, %reduce_sum3A_92 : vector<1024xf32>
    %get3A_94 = arith.constant 4096 : index
    %get3A_95 = vector.load %arg3[%get3A_94] : memref<8192xi32, #tpu.memory_space<vmem>>, vector<512xi32>
    %broadcast_in_dim3A_96 = vector.shape_cast %get3A_95 : vector<512xi32> to vector<1x512xi32>
    %eq3A_97 = vector.broadcast %broadcast_in_dim3A_96 : vector<1x512xi32> to vector<1024x512xi32>
    %eq3A_98 = arith.cmpi eq, %add3A_14, %eq3A_97 : vector<1024x512xi32>
    %convert_element_type3A_99 = arith.extui %eq3A_98 : vector<1024x512xi1> to vector<1024x512xi32>
    %convert_element_type3A_100 = arith.sitofp %convert_element_type3A_99 : vector<1024x512xi32> to vector<1024x512xf32>
    %reduce_sum3A_101 = arith.constant dense<0.000000e+00> : vector<1024xf32>
    %reduce_sum3A_102 = vector.multi_reduction <add>, %convert_element_type3A_100, %reduce_sum3A_101 [1] : vector<1024x512xf32> to vector<1024xf32>
    %add3A_103 = arith.addf %add3A_93, %reduce_sum3A_102 : vector<1024xf32>
    %get3A_104 = arith.constant 4608 : index
    %get3A_105 = vector.load %arg3[%get3A_104] : memref<8192xi32, #tpu.memory_space<vmem>>, vector<512xi32>
    %broadcast_in_dim3A_106 = vector.shape_cast %get3A_105 : vector<512xi32> to vector<1x512xi32>
    %eq3A_107 = vector.broadcast %broadcast_in_dim3A_106 : vector<1x512xi32> to vector<1024x512xi32>
    %eq3A_108 = arith.cmpi eq, %add3A_14, %eq3A_107 : vector<1024x512xi32>
    %convert_element_type3A_109 = arith.extui %eq3A_108 : vector<1024x512xi1> to vector<1024x512xi32>
    %convert_element_type3A_110 = arith.sitofp %convert_element_type3A_109 : vector<1024x512xi32> to vector<1024x512xf32>
    %reduce_sum3A_111 = arith.constant dense<0.000000e+00> : vector<1024xf32>
    %reduce_sum3A_112 = vector.multi_reduction <add>, %convert_element_type3A_110, %reduce_sum3A_111 [1] : vector<1024x512xf32> to vector<1024xf32>
    %add3A_113 = arith.addf %add3A_103, %reduce_sum3A_112 : vector<1024xf32>
    %get3A_114 = arith.constant 5120 : index
    %get3A_115 = vector.load %arg3[%get3A_114] : memref<8192xi32, #tpu.memory_space<vmem>>, vector<512xi32>
    %broadcast_in_dim3A_116 = vector.shape_cast %get3A_115 : vector<512xi32> to vector<1x512xi32>
    %eq3A_117 = vector.broadcast %broadcast_in_dim3A_116 : vector<1x512xi32> to vector<1024x512xi32>
    %eq3A_118 = arith.cmpi eq, %add3A_14, %eq3A_117 : vector<1024x512xi32>
    %convert_element_type3A_119 = arith.extui %eq3A_118 : vector<1024x512xi1> to vector<1024x512xi32>
    %convert_element_type3A_120 = arith.sitofp %convert_element_type3A_119 : vector<1024x512xi32> to vector<1024x512xf32>
    %reduce_sum3A_121 = arith.constant dense<0.000000e+00> : vector<1024xf32>
    %reduce_sum3A_122 = vector.multi_reduction <add>, %convert_element_type3A_120, %reduce_sum3A_121 [1] : vector<1024x512xf32> to vector<1024xf32>
    %add3A_123 = arith.addf %add3A_113, %reduce_sum3A_122 : vector<1024xf32>
    %get3A_124 = arith.constant 5632 : index
    %get3A_125 = vector.load %arg3[%get3A_124] : memref<8192xi32, #tpu.memory_space<vmem>>, vector<512xi32>
    %broadcast_in_dim3A_126 = vector.shape_cast %get3A_125 : vector<512xi32> to vector<1x512xi32>
    %eq3A_127 = vector.broadcast %broadcast_in_dim3A_126 : vector<1x512xi32> to vector<1024x512xi32>
    %eq3A_128 = arith.cmpi eq, %add3A_14, %eq3A_127 : vector<1024x512xi32>
    %convert_element_type3A_129 = arith.extui %eq3A_128 : vector<1024x512xi1> to vector<1024x512xi32>
    %convert_element_type3A_130 = arith.sitofp %convert_element_type3A_129 : vector<1024x512xi32> to vector<1024x512xf32>
    %reduce_sum3A_131 = arith.constant dense<0.000000e+00> : vector<1024xf32>
    %reduce_sum3A_132 = vector.multi_reduction <add>, %convert_element_type3A_130, %reduce_sum3A_131 [1] : vector<1024x512xf32> to vector<1024xf32>
    %add3A_133 = arith.addf %add3A_123, %reduce_sum3A_132 : vector<1024xf32>
    %get3A_134 = arith.constant 6144 : index
    %get3A_135 = vector.load %arg3[%get3A_134] : memref<8192xi32, #tpu.memory_space<vmem>>, vector<512xi32>
    %broadcast_in_dim3A_136 = vector.shape_cast %get3A_135 : vector<512xi32> to vector<1x512xi32>
    %eq3A_137 = vector.broadcast %broadcast_in_dim3A_136 : vector<1x512xi32> to vector<1024x512xi32>
    %eq3A_138 = arith.cmpi eq, %add3A_14, %eq3A_137 : vector<1024x512xi32>
    %convert_element_type3A_139 = arith.extui %eq3A_138 : vector<1024x512xi1> to vector<1024x512xi32>
    %convert_element_type3A_140 = arith.sitofp %convert_element_type3A_139 : vector<1024x512xi32> to vector<1024x512xf32>
    %reduce_sum3A_141 = arith.constant dense<0.000000e+00> : vector<1024xf32>
    %reduce_sum3A_142 = vector.multi_reduction <add>, %convert_element_type3A_140, %reduce_sum3A_141 [1] : vector<1024x512xf32> to vector<1024xf32>
    %add3A_143 = arith.addf %add3A_133, %reduce_sum3A_142 : vector<1024xf32>
    %get3A_144 = arith.constant 6656 : index
    %get3A_145 = vector.load %arg3[%get3A_144] : memref<8192xi32, #tpu.memory_space<vmem>>, vector<512xi32>
    %broadcast_in_dim3A_146 = vector.shape_cast %get3A_145 : vector<512xi32> to vector<1x512xi32>
    %eq3A_147 = vector.broadcast %broadcast_in_dim3A_146 : vector<1x512xi32> to vector<1024x512xi32>
    %eq3A_148 = arith.cmpi eq, %add3A_14, %eq3A_147 : vector<1024x512xi32>
    %convert_element_type3A_149 = arith.extui %eq3A_148 : vector<1024x512xi1> to vector<1024x512xi32>
    %convert_element_type3A_150 = arith.sitofp %convert_element_type3A_149 : vector<1024x512xi32> to vector<1024x512xf32>
    %reduce_sum3A_151 = arith.constant dense<0.000000e+00> : vector<1024xf32>
    %reduce_sum3A_152 = vector.multi_reduction <add>, %convert_element_type3A_150, %reduce_sum3A_151 [1] : vector<1024x512xf32> to vector<1024xf32>
    %add3A_153 = arith.addf %add3A_143, %reduce_sum3A_152 : vector<1024xf32>
    %get3A_154 = arith.constant 7168 : index
    %get3A_155 = vector.load %arg3[%get3A_154] : memref<8192xi32, #tpu.memory_space<vmem>>, vector<512xi32>
    %broadcast_in_dim3A_156 = vector.shape_cast %get3A_155 : vector<512xi32> to vector<1x512xi32>
    %eq3A_157 = vector.broadcast %broadcast_in_dim3A_156 : vector<1x512xi32> to vector<1024x512xi32>
    %eq3A_158 = arith.cmpi eq, %add3A_14, %eq3A_157 : vector<1024x512xi32>
    %convert_element_type3A_159 = arith.extui %eq3A_158 : vector<1024x512xi1> to vector<1024x512xi32>
    %convert_element_type3A_160 = arith.sitofp %convert_element_type3A_159 : vector<1024x512xi32> to vector<1024x512xf32>
    %reduce_sum3A_161 = arith.constant dense<0.000000e+00> : vector<1024xf32>
    %reduce_sum3A_162 = vector.multi_reduction <add>, %convert_element_type3A_160, %reduce_sum3A_161 [1] : vector<1024x512xf32> to vector<1024xf32>
    %add3A_163 = arith.addf %add3A_153, %reduce_sum3A_162 : vector<1024xf32>
    %get3A_164 = arith.constant 7680 : index
    %get3A_165 = vector.load %arg3[%get3A_164] : memref<8192xi32, #tpu.memory_space<vmem>>, vector<512xi32>
    %broadcast_in_dim3A_166 = vector.shape_cast %get3A_165 : vector<512xi32> to vector<1x512xi32>
    %eq3A_167 = vector.broadcast %broadcast_in_dim3A_166 : vector<1x512xi32> to vector<1024x512xi32>
    %eq3A_168 = arith.cmpi eq, %add3A_14, %eq3A_167 : vector<1024x512xi32>
    %convert_element_type3A_169 = arith.extui %eq3A_168 : vector<1024x512xi1> to vector<1024x512xi32>
    %convert_element_type3A_170 = arith.sitofp %convert_element_type3A_169 : vector<1024x512xi32> to vector<1024x512xf32>
    %reduce_sum3A_171 = arith.constant dense<0.000000e+00> : vector<1024xf32>
    %reduce_sum3A_172 = vector.multi_reduction <add>, %convert_element_type3A_170, %reduce_sum3A_171 [1] : vector<1024x512xf32> to vector<1024xf32>
    %add3A_173 = arith.addf %add3A_163, %reduce_sum3A_172 : vector<1024xf32>
    %div3A = arith.constant 1.000000e+00 : f32
    %div3A_174 = arith.constant 8.192000e+03 : f32
    %div3A_175 = arith.divf %div3A, %div3A_174 : f32
    %mul3A_176 = vector.broadcast %div3A_175 : f32 to vector<1024xf32>
    %mul3A_177 = arith.mulf %add3A_173, %mul3A_176 : vector<1024xf32>
    %add3A_178 = arith.constant 1.000000e-10 : f32
    %add3A_179 = vector.broadcast %add3A_178 : f32 to vector<1024xf32>
    %add3A_180 = arith.addf %mul3A_177, %add3A_179 : vector<1024xf32>
    %log3A = math.log %add3A_180 : vector<1024xf32>
    %mul3A_181 = arith.mulf %mul3A_177, %log3A : vector<1024xf32>
    %reduce_sum3A_182 = vector.shape_cast %mul3A_181 : vector<1024xf32> to vector<1x1024xf32>
    %reduce_sum3A_183 = arith.constant dense<0.000000e+00> : vector<1xf32>
    %reduce_sum3A_184 = vector.multi_reduction <add>, %reduce_sum3A_182, %reduce_sum3A_183 [1] : vector<1x1024xf32> to vector<1xf32>
    %reduce_sum3A_185 = vector.shape_cast %reduce_sum3A_184 : vector<1xf32> to vector<1x1xf32>
    %reduce_sum3A_186 = vector.extract %reduce_sum3A_185[0, 0] : f32 from vector<1x1xf32>
    %eq3A_187 = arith.constant 0 : i32
    %eq3A_188 = arith.cmpi eq, %arg0, %eq3A_187 : i32
    %convert_element_type3A_189 = arith.extui %eq3A_188 : i1 to i32
    %cond3A = arith.constant 0 : i32
    %cond3A_190 = arith.cmpi ne, %convert_element_type3A_189, %cond3A : i32
    scf.if %cond3A_190 {
      %swap3A_200 = arith.constant 0 : index
      %swap3A_201 = arith.constant 0 : index
      %swap3A_202 = memref.load %arg7[%swap3A_200, %swap3A_201] : memref<1x1xf32, #tpu.memory_space<smem>>
      memref.store %reduce_sum3A_11, %arg7[%swap3A_200, %swap3A_201] : memref<1x1xf32, #tpu.memory_space<smem>>
      %swap3A_203 = arith.constant 0 : index
      %swap3A_204 = arith.constant 0 : index
      %swap3A_205 = memref.load %arg8[%swap3A_203, %swap3A_204] : memref<1x1xf32, #tpu.memory_space<smem>>
      memref.store %reduce_sum3A_186, %arg8[%swap3A_203, %swap3A_204] : memref<1x1xf32, #tpu.memory_space<smem>>
    } else {
    }
    %gt3A = arith.constant 0 : i32
    %gt3A_191 = arith.cmpi sgt, %arg0, %gt3A : i32
    %convert_element_type3A_192 = arith.extui %gt3A_191 : i1 to i32
    %cond3A_193 = arith.constant 0 : i32
    %cond3A_194 = arith.cmpi ne, %convert_element_type3A_192, %cond3A_193 : i32
    scf.if %cond3A_194 {
      %get3A_200 = arith.constant 0 : index
      %get3A_201 = arith.constant 0 : index
      %get3A_202 = memref.load %arg7[%get3A_200, %get3A_201] : memref<1x1xf32, #tpu.memory_space<smem>>
      %add3A_203 = arith.addf %get3A_202, %reduce_sum3A_11 : f32
      %swap3A_204 = arith.constant 0 : index
      %swap3A_205 = arith.constant 0 : index
      %swap3A_206 = memref.load %arg7[%swap3A_204, %swap3A_205] : memref<1x1xf32, #tpu.memory_space<smem>>
      memref.store %add3A_203, %arg7[%swap3A_204, %swap3A_205] : memref<1x1xf32, #tpu.memory_space<smem>>
      %get3A_207 = arith.constant 0 : index
      %get3A_208 = arith.constant 0 : index
      %get3A_209 = memref.load %arg8[%get3A_207, %get3A_208] : memref<1x1xf32, #tpu.memory_space<smem>>
      %add3A_210 = arith.addf %get3A_209, %reduce_sum3A_186 : f32
      %swap3A_211 = arith.constant 0 : index
      %swap3A_212 = arith.constant 0 : index
      %swap3A_213 = memref.load %arg8[%swap3A_211, %swap3A_212] : memref<1x1xf32, #tpu.memory_space<smem>>
      memref.store %add3A_210, %arg8[%swap3A_211, %swap3A_212] : memref<1x1xf32, #tpu.memory_space<smem>>
    } else {
    }
    %eq3A_195 = arith.constant 7 : i32
    %eq3A_196 = arith.cmpi eq, %arg0, %eq3A_195 : i32
    %convert_element_type3A_197 = arith.extui %eq3A_196 : i1 to i32
    %cond3A_198 = arith.constant 0 : i32
    %cond3A_199 = arith.cmpi ne, %convert_element_type3A_197, %cond3A_198 : i32
    scf.if %cond3A_199 {
      %get3A_200 = arith.constant 0 : index
      %get3A_201 = arith.constant 0 : index
      %get3A_202 = memref.load %arg7[%get3A_200, %get3A_201] : memref<1x1xf32, #tpu.memory_space<smem>>
      %div3A_203 = arith.constant 0x4A000000 : f32
      %div3A_204 = arith.divf %get3A_202, %div3A_203 : f32
      %mul3A_205 = arith.constant 2.500000e-01 : f32
      %mul3A_206 = arith.mulf %mul3A_205, %div3A_204 : f32
      %add3A_207 = arith.addf %div3A_204, %mul3A_206 : f32
      %mul3A_208 = arith.constant 2.500000e-01 : f32
      %mul3A_209 = arith.mulf %mul3A_208, %add3A_207 : f32
      %reshape3A = vector.broadcast %mul3A_209 : f32 to vector<1x1xf32>
      %swap3A_210 = arith.constant 0 : index
      %swap3A_211 = arith.constant 0 : index
      %swap3A_212 = vector.load %arg5[%swap3A_210, %swap3A_211] : memref<1x1xf32, #tpu.memory_space<vmem>>, vector<1x1xf32>
      tpu.vector_store %arg5[%swap3A_210, %swap3A_211], %reshape3A {strides = array<i32>} : memref<1x1xf32, #tpu.memory_space<vmem>>, vector<1x1xf32>,
      %get3A_213 = arith.constant 0 : index
      %get3A_214 = arith.constant 0 : index
      %get3A_215 = memref.load %arg8[%get3A_213, %get3A_214] : memref<1x1xf32, #tpu.memory_space<smem>>
      %neg3A = arith.constant 0.000000e+00 : f32
      %neg3A_216 = arith.subf %neg3A, %get3A_215 : f32
      %exp3A = math.exp %neg3A_216 : f32
      %reshape3A_217 = vector.broadcast %exp3A : f32 to vector<1x1xf32>
      %swap3A_218 = arith.constant 0 : index
      %swap3A_219 = arith.constant 0 : index
      %swap3A_220 = vector.load %arg6[%swap3A_218, %swap3A_219] : memref<1x1xf32, #tpu.memory_space<vmem>>, vector<1x1xf32>
      tpu.vector_store %arg6[%swap3A_218, %swap3A_219], %reshape3A_217 {strides = array<i32>} : memref<1x1xf32, #tpu.memory_space<vmem>>, vector<1x1xf32>,
    } else {
    }
    return
  }
  func.func @transform_0(%arg0: i32) -> (i32, i32) {
    %c0_i32 = arith.constant 0 : i32
    %c0_i32_0 = arith.constant 0 : i32
    return %arg0, %c0_i32 : i32, i32
  }
  func.func @transform_1(%arg0: i32) -> (i32, i32) {
    %c0_i32 = arith.constant 0 : i32
    %c0_i32_0 = arith.constant 0 : i32
    return %arg0, %c0_i32 : i32, i32
  }
  func.func @transform_2(%arg0: i32) -> i32 {
    %c0_i32 = arith.constant 0 : i32
    %c0_i32_0 = arith.constant 0 : i32
    return %c0_i32 : i32
  }
  func.func @transform_3(%arg0: i32) -> (i32, i32) {
    %c0_i32 = arith.constant 0 : i32
    %c0_i32_0 = arith.constant 0 : i32
    return %arg0, %c0_i32 : i32, i32
  }
  func.func @transform_4(%arg0: i32) -> (i32, i32) {
    %c0_i32 = arith.constant 0 : i32
    %c0_i32_0 = arith.constant 0 : i32
    %c0_i32_1 = arith.constant 0 : i32
    return %c0_i32, %c0_i32_0 : i32, i32
  }
  func.func @transform_5(%arg0: i32) -> (i32, i32) {
    %c0_i32 = arith.constant 0 : i32
    %c0_i32_0 = arith.constant 0 : i32
    %c0_i32_1 = arith.constant 0 : i32
    return %c0_i32, %c0_i32_0 : i32, i32
  }
}

</mosaic_0001>

<sc_bundles>
// kernel: kernel.5.cloned.1.call-start
scs
__scs_entry_jumppad:
0x0: {  	(pc) =	sbr.rel $0x88, $3  }
0x1: {  	(tag) =	ssettag $0x0;
	lr =	simm.s32 $0x1  }
0x2: {  	[smem:$0x3F9F] =	sst lr;
	_ =	strace $0xD0000000  }
0x3: {  	_ = 	snop  }
0x4: {  	_ = 	snop  }
0x5: {  	_ = 	snop  }
0x6: {  	_ = 	snop  }
0x7: {  	_ = 	snop  }
__scs_overlays_trampoline_lowered:
0x8: {  	[smem:$0x3FAE] =	sst s0  }
0x9: {  	[smem:$0x3FAF] =	sst s1  }
0xa: {  	[smem:$0x3FB0] =	sst s2  }
0xb: {  	[smem:$0x3FB1] =	sst s3  }
0xc: {  	[smem:$0x3FB2] =	sst s4  }
0xd: {  	[smem:$0x3FB3] =	sst s5  }
0xe: {  	[smem:$0x3FB4] =	sst s6  }
0xf: {  	[smem:$0x3FB5] =	sst s7  }
0x10: {  	[smem:$0x3FB6] =	sst s8  }
0x11: {  	[smem:$0x3FB7] =	sst s9;
	s0 =	simm.s32 @!p0 $0x0  }
0x12: {  	s1 =	sld [smem:$0x3F9D];
	s0 =	simm.s32 @p0 $0x1  }
0x13: {  	[smem:$0x3FB8] =	sst s0;
	s0 =	simm.s32 @!p1 $0x0  }
0x14: {  	s2 =	sld [smem:$0x3F9C];
	s0 =	simm.s32 @p1 $0x1  }
0x15: {  	[smem:$0x3FB9] =	sst s0;
	s0 =	simm.s32 @!p2 $0x0  }
0x16: {  	s3 =	sld [smem:$0x3FDB];
	s0 =	simm.s32 @p2 $0x1  }
0x17: {  	s4 =	simm.s32 $0x1BF5;
	[smem:$0x3FBB] =	sst s0  }
0x18: {  	s0 =	sld [smem:$0x3F9E];
	_ =	swait.ge [sflag:s4], $0x0  }
0x19: {  	s7 =	sld [smem:$0x3F9F]  }
0x1a: {  	s8 =	sadd.s32 $0xFFFFE003, lr  }
0x1b: {  	s9 =	sadd.s32 $0xFFFFFEF7, lr;
	s5 =	simm.s32 $0xFFFFFFFF;
	p2 =	slt.u32 s8, $0xFFFFF086  }
0x1c: {  	p1 =	slt.u32 s9, $0xF7A;
	s5 =	simm.s32 @!p2 $0x0  }
0x1d: {  	s5 =	simm.s32 @p1 $0x1;
	p0 =	seq.s32 s7, s2  }
0x1e: {  	s7 =	smul.u32 @!p0 $0xF7A, s2;
	p2 =	seq.s32 @!p0 s5, $0x0  }
0x1f: {  	s9 =	smul.u32 $0xF7A, s1;
	s8 =	simm.s32 @!p0 $0x1BF5;
	p2 =	por !p2, p0  }
0x20: {  	[sflag:s8] =	ssyncset.s32 @!p0 $0xFFFFF086;
	s6 =	sadd.s32 @!p0 s3, s7;
	s7 =	simm.s32 @!p0 $0x108  }
0x21: {  	s3 =	sadd.s32 s3, s9;
	s6 =	sadd.s32 @!p0 $0x88, s6;
	s7 =	simm.s32 @p2 $0x1082  }
0x22: {  	[simem:s7], [sflag:s8] =	dma.local @!p0 [hbm:s6], $0xF7A  }
0x23: {  	s9 =	sor.u32 $0xD0000000, s2;
	s6 =	simm.s32 $0x108;
	_ =	swait.ge @!p0 [sflag:s8], $0x0  }
0x24: {  	s3 =	sadd.s32 $0x88, s3;
	s6 =	simm.s32 @!p1 $0x1082;
	[sflag:s4] =	ssyncset.s32 $0xFFFFF086  }
0x25: {  	[simem:s6], [sflag:s4] =	dma.local [hbm:s3], $0xF7A  }
0x26: {  	[smem:$0x3F9F] =	sst s1;
	(tag) =	ssettag s2;
	_ =	strace s9  }
0x27: {  	s1 =	sld [smem:$0x3FAF]  }
0x28: {  	s2 =	sld [smem:$0x3FB0]  }
0x29: {  	s4 =	sld [smem:$0x3FB2]  }
0x2a: {  	p0 =	seq.s32 s5, $0x0;
	s5 =	sld [smem:$0x3FB3]  }
0x2b: {  	s6 =	sld [smem:$0x3FB4]  }
0x2c: {  	s7 =	sld [smem:$0x3FB5]  }
0x2d: {  	s3 =	simm.s32 $0x108;
	s8 =	sld [smem:$0x3FB6]  }
0x2e: {  	s3 =	simm.s32 @!p0 $0x1082;
	s9 =	sld [smem:$0x3FB7]  }
0x2f: {  	lr =	sadd.s32 s0, s3;
	s0 =	sld [smem:$0x3FAE]  }
0x30: {  	s3 =	sld [smem:$0x3FB1]  }
0x31: {  	[smem:$0x3FBA] =	sst s10  }
0x32: {  	s10 =	sld [smem:$0x3FB8];
	_ =	sdelay $0x3  }
0x33: {  	p0 =	seq.s32 s10, $0x1;
	s10 =	sld [smem:$0x3FBA];
	_ =	sdelay $0x3  }
0x34: {  	[smem:$0x3FBA] =	sst s10  }
0x35: {  	s10 =	sld [smem:$0x3FB9];
	_ =	sdelay $0x3  }
0x36: {  	p1 =	seq.s32 s10, $0x1;
	s10 =	sld [smem:$0x3FBA];
	_ =	sdelay $0x3  }
0x37: {  	[smem:$0x3FBA] =	sst s10  }
0x38: {  	s10 =	sld [smem:$0x3FBB]  }
0x39: {  	_ = 	snop;
	(pc) =	sbr.ind lr, $3  }
0x3a: {  	_ = 	snop  }
0x3b: {  	_ = 	snop  }
0x3c: {  	p2 =	seq.s32 s10, $0x1;
	s10 =	sld [smem:$0x3FBA]  }
0x3d: {  	_ =	shalt  }
0x3e: {  	_ =	shalt  }
0x3f: {  	_ =	shalt  }
0x40: {  	_ =	shalt  }
0x41: {  	_ =	shalt  }
0x42: {  	_ =	shalt  }
0x43: {  	_ =	shalt  }
0x44: {  	_ =	shalt  }
0x45: {  	_ =	shalt  }
0x46: {  	_ =	shalt  }
0x47: {  	_ =	shalt  }
0x48: {  	_ =	shalt  }
0x49: {  	_ =	shalt  }
0x4a: {  	_ =	shalt  }
0x4b: {  	_ =	shalt  }
0x4c: {  	_ =	shalt  }
0x4d: {  	_ =	shalt  }
0x4e: {  	_ =	shalt  }
0x4f: {  	_ =	shalt  }
0x50: {  	_ =	shalt  }
0x51: {  	_ =	shalt  }
0x52: {  	_ =	shalt  }
0x53: {  	_ =	shalt  }
0x54: {  	_ =	shalt  }
0x55: {  	_ =	shalt  }
0x56: {  	_ =	shalt  }
0x57: {  	_ =	shalt  }
0x58: {  	_ =	shalt  }
0x59: {  	_ =	shalt  }
0x5a: {  	_ =	shalt  }
0x5b: {  	_ =	shalt  }
0x5c: {  	_ =	shalt  }
0x5d: {  	_ =	shalt  }
0x5e: {  	_ =	shalt  }
0x5f: {  	_ =	shalt  }
0x60: {  	_ =	shalt  }
0x61: {  	_ =	shalt  }
0x62: {  	_ =	shalt  }
0x63: {  	_ =	shalt  }
0x64: {  	_ =	shalt  }
0x65: {  	_ =	shalt  }
0x66: {  	_ =	shalt  }
0x67: {  	_ =	shalt  }
0x68: {  	_ =	shalt  }
0x69: {  	_ =	shalt  }
0x6a: {  	_ =	shalt  }
0x6b: {  	_ =	shalt  }
0x6c: {  	_ =	shalt  }
0x6d: {  	_ =	shalt  }
0x6e: {  	_ =	shalt  }
0x6f: {  	_ =	shalt  }
0x70: {  	_ =	shalt  }
0x71: {  	_ =	shalt  }
0x72: {  	_ =	shalt  }
0x73: {  	_ =	shalt  }
0x74: {  	_ =	shalt  }
0x75: {  	_ =	shalt  }
0x76: {  	_ =	shalt  }
0x77: {  	_ =	shalt  }
0x78: {  	_ =	shalt  }
0x79: {  	_ =	shalt  }
0x7a: {  	_ =	shalt  }
0x7b: {  	_ =	shalt  }
0x7c: {  	_ =	shalt  }
0x7d: {  	_ =	shalt  }
0x7e: {  	_ =	shalt  }
0x7f: {  	_ =	shalt  }
0x80: {  	_ =	shalt  }
0x81: {  	_ =	shalt  }
0x82: {  	_ =	shalt  }
0x83: {  	_ =	shalt  }
0x84: {  	_ =	shalt  }
0x85: {  	_ =	shalt  }
0x86: {  	_ =	shalt  }
0x87: {  	_ =	shalt  }
.Lfunc_end0:
.L_simem_size_0:
called_computation_lowered:
.L_overlay_start_0:
0x88: {  	s2 =	sld [smem:$0x3FD9]  }
0x89: {  	s3 =	sld [smem:$0x3FFE];
	_ =	sdelay $0x1  }
0x8a: {  	s1 =	srdreg.scid  }
0x8b: {  	s0 =	sand.u32 $0x1, s1  }
0x8c: {  	s14 =	sshll.u32 s0, $0xA;
	s2 =	sadd.s32 s3, s2  }
0x8d: {  	s2 =	sadd.s32 s2, s14  }
0x8e: {  	[smem:$0x3FC6] =	sst s2  }
0x8f: {  	_ = 	snop  }
0x90: {  	s2 =	sld [smem:$0x3FD0];
	_ =	sdelay $0x2  }
0x91: {  	s4 =	simm.s32 $0xA;
	s5 =	simm.s32 $0x10;
	s15 =	sld [smem:$0x3FC8]  }
0x92: {  	[smem:s5], [sflag:s4] =	dma.local [hbm:s2], $0x1  }
0x93: {  	_ =	swait.eq [sflag:s4], $0x1  }
0x94: {  	[sflag:s4] =	ssyncset.done $0x0  }
0x95: {  	[sflag:s4] =	ssyncadd.s32 $0xFFFFFFFF  }
0x96: {  	s16 =	sld [smem:$0x10];
	(tm) =	ssettm $0x1  }
0x97: {  	s17 =	sld [smem:$0x3FFB];
	_ =	sdelay $0x3  }
0x98: {  	_ =	strace s17  }
0x99: {  	s4 =	sld [smem:$0x3FFC];
	_ =	sdelay $0x3  }
0x9a: {  	_ =	strace s4  }
0x9b: {  	s4 =	sld [smem:$0x3FFD];
	_ =	sdelay $0x3  }
0x9c: {  	_ =	strace s4  }
0x9d: {  	_ =	strace $0x8FFFFFFF  }
0x9e: {  	s18 =	sld [smem:$0x3FDB];
	_ =	sdelay $0x1  }
0x9f: {  	s19 =	simm.s32 $_scs_section_size  }
0xa0: {  	s6 =	simm.s32 $_size__tile_overlayer_lowered;
	s7 =	simm.s32 $_tile_overlayer_lowered  }
0xa1: {  	s22 =	simm.s32 $0x1BFF;
	s21 =	sshll.u32 s7, $0x1;
	s4 =	sadd.s32 s19, s18  }
0xa2: {  	s8 =	simm.s32 $0x0;
	s20 =	sshll.u32 s6, $0x1;
	s6 =	sadd.s32 s21, s4  }
0xa3: {  	[timem:s8], [sflag:s22] =	dma.local [hbm:s6], s20  }
0xa4: {  	_ =	swait.ge [sflag:s22], s20  }
0xa5: {  	s5 =	ssub.s32 $0x0, s20;
	[sflag:s22] =	ssyncset.done $0x0  }
0xa6: {  	[sflag:s22] =	ssyncadd.s32 s5;
	_ =	sdelay $0x1  }
0xa7: {  	s23 =	simm.s32 $0x1B8B  }
0xa8: {  	_ =	swait.ge [sflag:s23], $0x1  }
0xa9: {  	[sflag:s23] =	ssyncset.done $0x0  }
0xaa: {  	s25 =	simm.s32 $0x1B8E;
	s24 =	sld [smem:$0x3FFE];
	[sflag:s23] =	ssyncadd.s32 $0xFFFFFFFF  }
0xab: {  	s26 =	simm.s32 $execute0_lowered;
	[smem:$0x3FD2] =	sst s25  }
0xac: {  	s6 =	sshll.u32 s26, $0x1;
	_ =	strace $0x80000046;
	[dreg:$0x1] =	wrdreg $0xFFFFFFFF  }
0xad: {  	s28 =	simm.s32 $_size_execute0_lowered;
	s4 =	sadd.s32 s4, s6;
	[dreg:$0x0] =	wrdreg $0x0  }
0xae: {  	s6 =	sshll.u32 s28, $0x1;
	[dreg:$0x2] =	wrdreg s4  }
0xaf: {  	[dreg:$0x3] =	wrdreg s6  }
0xb0: {  	[dreg:$0x4] =	wrdreg $0xC0  }
0xb1: {  	_ =	task [dreg:s8], $0x5FFFF  }
0xb2: {  	[dreg:$0x1] =	wrdreg $0xFFFFFFFF  }
0xb3: {  	[dreg:$0x0] =	wrdreg $0x60  }
0xb4: {  	[dreg:$0x2] =	wrdreg s24  }
0xb5: {  	[dreg:$0x3] =	wrdreg s15  }
0xb6: {  	[dreg:$0x4] =	wrdreg s16  }
0xb7: {  	[dreg:$0x5] =	wrdreg $0x9  }
0xb8: {  	_ =	task.clear_ibuf [dreg:s8], $0x6FFFF;
	_ =	strace $0x90000046  }
0xb9: {  	s29 =	simm.s32 $0x9;
	_ =	strace $0x80000048  }
0xba: {  	_ =	swait.ge [sflag:s29], $0x1  }
0xbb: {  	[sflag:s29] =	ssyncadd.s32 $0xFFFFFFFF  }
0xbc: {  	_ =	strace $0x90000048  }
0xbd: {  	_ =	sfence  }
0xbe: {  	s30 =	sld [smem:$0x0];
	_ =	sdelay $0x2  }
0xbf: {  	s31 =	sshll.u32 s1, $0xD;
	s1 =	sshrl.u32 s1, $0x2  }
0xc0: {  	s3 =	sand.u32 $0x4000, s31;
	s1 =	sadd.s32 s1, s30  }
0xc1: {  	s0 =	sor.u32 s3, s0;
	s1 =	sshll.u32 s1, $0x11  }
0xc2: {  	s0 =	sor.u32 s1, s0  }
0xc3: {  	s0 =	sadd.s32 $0x8F2B, s0  }
0xc4: {  	[sflag:s0] =	ssyncadd.remote.s32 $0x1  }
0xc5: {  	_ =	sfence.sel $0xFFFF  }
0xc6: {  	[dreg:$0x0] =	wrdreg $0xFFFFFFFF;
	(pc) =	sbr.abs _section_cstart, $3  }
0xc7: {  	[dreg:$0x1] =	wrdreg $0xFFFFFFFF  }
0xc8: {  	_ =	task.clear_ibuf [dreg:s8], $0x2FFFF;
	_ =	strace $0x9FFFFFFF  }
0xc9: {  	(tm) =	ssettm $0x7FFFFFFF  }
tec
execute0_lowered:
.L_overlay_start_1:
0x0: {  	(tag) =	ssettag $0x1  }
0x1: {  	s1 =	rddreg [dreg:$0x0]  }
0x2: {  	s3 =	srdreg.scid;
	s2 =	rddreg [dreg:$0x1]  }
0x3: {  	s0 =	stileid.u32;
	s4 =	rddreg [dreg:$0x2]  }
0x4: {  	s17 =	simm.s32 $0x80;
	s18 =	simm.s32 $0x900;
	s19 =	simm.s32 $0x1100  }
0x5: {  	s20 =	simm.s32 $0x1900;
	s21 =	simm.s32 $0x2100;
	s22 =	simm.s32 $0x2900  }
0x6: {  	s24 =	simm.s32 $0x3100;
	s5 =	sand.u32 $0x1, s3;
	s3 =	simm.s32 $0x0  }
0x7: {  	s25 =	simm.s32 $0x3900;
	s26 =	simm.s32 $0x4100;
	[smem:$0x7FF] =	sst s3  }
0x8: {  	s9 =	simm.s32 $0x5100;
	_ =	strace $0x80000047;
	[dreg:$0x7] =	wrdreg s17  }
0x9: {  	s10 =	simm.s32 $0x5900;
	s11 =	simm.s32 $0x6100;
	[dreg:$0x8] =	wrdreg s18  }
0xa: {  	s12 =	simm.s32 $0x6900;
	s13 =	simm.s32 $0x7100;
	[dreg:$0x9] =	wrdreg s19  }
0xb: {  	s14 =	simm.s32 $0x7900;
	s28 =	simm.s32 $0xE100;
	[dreg:$0xa] =	wrdreg s20  }
0xc: {  	s29 =	simm.s32 $0xE900;
	s30 =	simm.s32 $0xF100;
	[dreg:$0xb] =	wrdreg s21  }
0xd: {  	s31 =	simm.s32 $0xF900;
	s15 =	sshll.u32 s0, $0x1;
	[dreg:$0xc] =	wrdreg s22  }
0xe: {  	s6 =	sor.u32 s5, s15;
	s5 =	ssub.s32 $0x2, s5;
	[dreg:$0xd] =	wrdreg s24  }
0xf: {  	s15 =	simm.s32 $0x8100;
	s7 =	sshll.u32 s6, $0x5;
	[dreg:$0xe] =	wrdreg s25  }
0x10: {  	s6 =	sshll.u32 s6, $0xD;
	s23 =	sshrl.u32 s5, $0x1;
	[dreg:$0xf] =	wrdreg s26  }
0x11: {  	s17 =	simm.s32 $0x9100;
	s18 =	simm.s32 $0x9900;
	s19 =	simm.s32 $0xA100  }
0x12: {  	s20 =	simm.s32 $0xA900;
	s21 =	simm.s32 $0xB100;
	s22 =	simm.s32 $0xB900  }
0x13: {  	s24 =	simm.s32 $0xC900;
	s25 =	simm.s32 $0xD100;
	s1 =	sadd.s32 s7, s1  }
0x14: {  	s26 =	simm.s32 $0xD900;
	s4 =	sadd.s32 s4, s6;
	s7 =	sadd.s32 $0xE00, s1  }
0x15: {  	s5 =	ssub.s32 s5, s23;
	s1 =	sadd.s32 $0xE10, s1;
	[dreg:$0x4] =	wrdreg s7  }
0x16: {  	v2 =	vlaneseq.u32;
	s6 =	simm.s32 $0x2;
	s16 =	sadd.s32 $0x1000, s4;
	[dreg:$0x5] =	wrdreg s1  }
0x17: {  	vm0 =	vmmov $0xffff;
	v1 =	vshrl.u32 v2, $0x3;
	s23 =	simm.s32 $0xC100;
	s5 =	smax.u32 s5, $0x1;
	[dreg:$0x6] =	wrdreg s16  }
0x18: {  	v0 =	vand.u32 $0x7, v2;
	v2 =	vor.u32 $0x8, v2;
	v1 =	vmul.u32 $0x8, v1;
	s7 =	simm.s32 $0x100;
	s16 =	simm.s32 $0x8900;
	s1 =	simm.s32 $0x1  }
.LBB2_1:
0x19: {  	s0 =	rddreg [dreg:$0x4]  }
0x1a: {  	[tilespmem:s3], [sflag:$0x2] =	stream.linear.gather [hbm4b:s0+s3], $0x80, $0x38;
	[tilespmem:$0x10100] =	vst v63  }
0x1b: {  	_ =	swait.ge [sflag:s6], $0x80  }
0x1c: {  	s0 =	rddreg [dreg:$0x5];
	[sflag:s6] =	ssyncset.done $0x0  }
0x1d: {  	s8 =	rddreg [dreg:$0x7];
	[sflag:s6] =	ssyncadd.s32 $0xFFFFFF80  }
0x1e: {  	[tilespmem:s8], [sflag:$0x2] =	stream.linear.gather [hbm4b:s0+s3], $0x80, $0x38;
	[tilespmem:$0x10100] =	vst v63  }
0x1f: {  	_ =	swait.ge [sflag:s6], $0x80  }
0x20: {  	[sflag:s6] =	ssyncset.done $0x0  }
0x21: {  	[sflag:s6] =	ssyncadd.s32 $0xFFFFFF80  }
0x22: {  	v3 =	vld [tilespmem:$0x0];
	_ =	sdelay $0x4  }
0x23: {  	v4 =	vshll.u32 v3, $0x1  }
0x24: {  	v3 =	vand.u32 $0x7, v3;
	v4 =	vand.u32 $0xFFFFFFF0, v4  }
0x25: {  	v3 =	vor.u32 v3, v4  }
0x26: {  	v4 =	vperm.xlane v3, v0;
	_ =	sdelay $0x1  }
0x27: {  	v3 =	vperm.xlane v3, v2;
	v4 =	vadd.s32 v1, v4;
	_ =	sdelay $0x1  }
0x28: {  	v3 =	vadd.s32 v1, v3;
	_ =	sdelay $0x2  }
0x29: {  	[tilespmem:s7], [sflag:$0x1] =	stream.indirect_vreg.gather [hbm4b:s2+s3], $0x80, v4, vm0, $0xb8;
	[tilespmem:$0x10100] =	vst v63  }
0x2a: {  	s8 =	rddreg [dreg:$0x8]  }
0x2b: {  	[tilespmem:s8], [sflag:$0x1] =	stream.indirect_vreg.gather [hbm4b:s2+s3], $0x80, v3, vm0, $0xb8;
	[tilespmem:$0x10100] =	vst v63  }
0x2c: {  	v3 =	vld [tilespmem:$0x10];
	_ =	sdelay $0x4  }
0x2d: {  	v49 =	vshll.u32 v3, $0x1  }
0x2e: {  	v3 =	vand.u32 $0x7, v3;
	v4 =	vand.u32 $0xFFFFFFF0, v49  }
0x2f: {  	v3 =	vor.u32 v3, v4  }
0x30: {  	v4 =	vperm.xlane v3, v0;
	_ =	sdelay $0x1  }
0x31: {  	v3 =	vperm.xlane v3, v2;
	v4 =	vadd.s32 v1, v4;
	_ =	sdelay $0x1  }
0x32: {  	v3 =	vadd.s32 v1, v3;
	_ =	sdelay $0x1  }
0x33: {  	s0 =	rddreg [dreg:$0x9]  }
0x34: {  	[tilespmem:s0], [sflag:$0x1] =	stream.indirect_vreg.gather [hbm4b:s2+s3], $0x80, v4, vm0, $0xb8;
	[tilespmem:$0x10100] =	vst v63  }
0x35: {  	s8 =	rddreg [dreg:$0xa]  }
0x36: {  	[tilespmem:s8], [sflag:$0x1] =	stream.indirect_vreg.gather [hbm4b:s2+s3], $0x80, v3, vm0, $0xb8;
	[tilespmem:$0x10100] =	vst v63  }
0x37: {  	v3 =	vld [tilespmem:$0x20];
	_ =	sdelay $0x4  }
0x38: {  	v50 =	vshll.u32 v3, $0x1  }
0x39: {  	v3 =	vand.u32 $0x7, v3;
	v4 =	vand.u32 $0xFFFFFFF0, v50  }
0x3a: {  	v3 =	vor.u32 v3, v4  }
0x3b: {  	v4 =	vperm.xlane v3, v0;
	_ =	sdelay $0x1  }
0x3c: {  	v3 =	vperm.xlane v3, v2;
	v4 =	vadd.s32 v1, v4;
	_ =	sdelay $0x1  }
0x3d: {  	v3 =	vadd.s32 v1, v3;
	_ =	sdelay $0x1  }
0x3e: {  	s0 =	rddreg [dreg:$0xb]  }
0x3f: {  	[tilespmem:s0], [sflag:$0x1] =	stream.indirect_vreg.gather [hbm4b:s2+s3], $0x80, v4, vm0, $0xb8;
	[tilespmem:$0x10100] =	vst v63  }
0x40: {  	s8 =	rddreg [dreg:$0xc]  }
0x41: {  	[tilespmem:s8], [sflag:$0x1] =	stream.indirect_vreg.gather [hbm4b:s2+s3], $0x80, v3, vm0, $0xb8;
	[tilespmem:$0x10100] =	vst v63  }
0x42: {  	v3 =	vld [tilespmem:$0x30];
	_ =	sdelay $0x4  }
0x43: {  	v51 =	vshll.u32 v3, $0x1  }
0x44: {  	v3 =	vand.u32 $0x7, v3;
	v4 =	vand.u32 $0xFFFFFFF0, v51  }
0x45: {  	v3 =	vor.u32 v3, v4  }
0x46: {  	v4 =	vperm.xlane v3, v0;
	_ =	sdelay $0x1  }
0x47: {  	v3 =	vperm.xlane v3, v2;
	v4 =	vadd.s32 v1, v4;
	_ =	sdelay $0x1  }
0x48: {  	v3 =	vadd.s32 v1, v3;
	_ =	sdelay $0x1  }
0x49: {  	s0 =	rddreg [dreg:$0xd]  }
0x4a: {  	[tilespmem:s0], [sflag:$0x1] =	stream.indirect_vreg.gather [hbm4b:s2+s3], $0x80, v4, vm0, $0xb8;
	[tilespmem:$0x10100] =	vst v63  }
0x4b: {  	s8 =	rddreg [dreg:$0xe]  }
0x4c: {  	[tilespmem:s8], [sflag:$0x1] =	stream.indirect_vreg.gather [hbm4b:s2+s3], $0x80, v3, vm0, $0xb8;
	[tilespmem:$0x10100] =	vst v63  }
0x4d: {  	v3 =	vld [tilespmem:$0x40];
	_ =	sdelay $0x4  }
0x4e: {  	v52 =	vshll.u32 v3, $0x1  }
0x4f: {  	v3 =	vand.u32 $0x7, v3;
	v4 =	vand.u32 $0xFFFFFFF0, v52  }
0x50: {  	v3 =	vor.u32 v3, v4  }
0x51: {  	v4 =	vperm.xlane v3, v0;
	_ =	sdelay $0x1  }
0x52: {  	v3 =	vperm.xlane v3, v2;
	v4 =	vadd.s32 v1, v4;
	_ =	sdelay $0x1  }
0x53: {  	v3 =	vadd.s32 v1, v3;
	_ =	sdelay $0x1  }
0x54: {  	s8 =	rddreg [dreg:$0xf]  }
0x55: {  	[tilespmem:s8], [sflag:$0x1] =	stream.indirect_vreg.gather [hbm4b:s2+s3], $0x80, v4, vm0, $0xb8;
	[tilespmem:$0x10100] =	vst v63  }
0x56: {  	s8 =	simm.s32 $0x4900  }
0x57: {  	[tilespmem:s8], [sflag:$0x1] =	stream.indirect_vreg.gather [hbm4b:s2+s3], $0x80, v3, vm0, $0xb8;
	[tilespmem:$0x10100] =	vst v63  }
0x58: {  	v3 =	vld [tilespmem:$0x50];
	_ =	sdelay $0x4  }
0x59: {  	v53 =	vshll.u32 v3, $0x1  }
0x5a: {  	v3 =	vand.u32 $0x7, v3;
	v4 =	vand.u32 $0xFFFFFFF0, v53  }
0x5b: {  	v3 =	vor.u32 v3, v4  }
0x5c: {  	v4 =	vperm.xlane v3, v0;
	_ =	sdelay $0x1  }
0x5d: {  	v3 =	vperm.xlane v3, v2;
	v4 =	vadd.s32 v1, v4;
	_ =	sdelay $0x1  }
0x5e: {  	v3 =	vadd.s32 v1, v3;
	_ =	sdelay $0x2  }
0x5f: {  	[tilespmem:s9], [sflag:$0x1] =	stream.indirect_vreg.gather [hbm4b:s2+s3], $0x80, v4, vm0, $0xb8;
	[tilespmem:$0x10100] =	vst v63  }
0x60: {  	_ = 	snop  }
0x61: {  	[tilespmem:s10], [sflag:$0x1] =	stream.indirect_vreg.gather [hbm4b:s2+s3], $0x80, v3, vm0, $0xb8;
	[tilespmem:$0x10100] =	vst v63  }
0x62: {  	v3 =	vld [tilespmem:$0x60];
	_ =	sdelay $0x4  }
0x63: {  	v54 =	vshll.u32 v3, $0x1  }
0x64: {  	v3 =	vand.u32 $0x7, v3;
	v4 =	vand.u32 $0xFFFFFFF0, v54  }
0x65: {  	v3 =	vor.u32 v3, v4  }
0x66: {  	v4 =	vperm.xlane v3, v0;
	_ =	sdelay $0x1  }
0x67: {  	v3 =	vperm.xlane v3, v2;
	v4 =	vadd.s32 v1, v4;
	_ =	sdelay $0x1  }
0x68: {  	v3 =	vadd.s32 v1, v3;
	_ =	sdelay $0x2  }
0x69: {  	[tilespmem:s11], [sflag:$0x1] =	stream.indirect_vreg.gather [hbm4b:s2+s3], $0x80, v4, vm0, $0xb8;
	[tilespmem:$0x10100] =	vst v63  }
0x6a: {  	_ = 	snop  }
0x6b: {  	[tilespmem:s12], [sflag:$0x1] =	stream.indirect_vreg.gather [hbm4b:s2+s3], $0x80, v3, vm0, $0xb8;
	[tilespmem:$0x10100] =	vst v63  }
0x6c: {  	v3 =	vld [tilespmem:$0x70];
	_ =	sdelay $0x4  }
0x6d: {  	v55 =	vshll.u32 v3, $0x1  }
0x6e: {  	v3 =	vand.u32 $0x7, v3;
	v4 =	vand.u32 $0xFFFFFFF0, v55  }
0x6f: {  	v3 =	vor.u32 v3, v4  }
0x70: {  	v4 =	vperm.xlane v3, v0;
	_ =	sdelay $0x1  }
0x71: {  	v3 =	vperm.xlane v3, v2;
	v4 =	vadd.s32 v1, v4;
	_ =	sdelay $0x1  }
0x72: {  	v3 =	vadd.s32 v1, v3;
	_ =	sdelay $0x2  }
0x73: {  	[tilespmem:s13], [sflag:$0x1] =	stream.indirect_vreg.gather [hbm4b:s2+s3], $0x80, v4, vm0, $0xb8;
	[tilespmem:$0x10100] =	vst v63  }
0x74: {  	_ = 	snop  }
0x75: {  	[tilespmem:s14], [sflag:$0x1] =	stream.indirect_vreg.gather [hbm4b:s2+s3], $0x80, v3, vm0, $0xb8;
	[tilespmem:$0x10100] =	vst v63  }
0x76: {  	v3 =	vld [tilespmem:$0x80];
	_ =	sdelay $0x4  }
0x77: {  	v56 =	vshll.u32 v3, $0x1  }
0x78: {  	v3 =	vand.u32 $0x7, v3;
	v4 =	vand.u32 $0xFFFFFFF0, v56  }
0x79: {  	v3 =	vor.u32 v3, v4  }
0x7a: {  	v4 =	vperm.xlane v3, v0;
	_ =	sdelay $0x1  }
0x7b: {  	v3 =	vperm.xlane v3, v2;
	v4 =	vadd.s32 v1, v4;
	_ =	sdelay $0x1  }
0x7c: {  	v3 =	vadd.s32 v1, v3;
	_ =	sdelay $0x2  }
0x7d: {  	[tilespmem:s15], [sflag:$0x1] =	stream.indirect_vreg.gather [hbm4b:s2+s3], $0x80, v4, vm0, $0xb8;
	[tilespmem:$0x10100] =	vst v63  }
0x7e: {  	_ = 	snop  }
0x7f: {  	[tilespmem:s16], [sflag:$0x1] =	stream.indirect_vreg.gather [hbm4b:s2+s3], $0x80, v3, vm0, $0xb8;
	[tilespmem:$0x10100] =	vst v63  }
0x80: {  	v3 =	vld [tilespmem:$0x90];
	_ =	sdelay $0x4  }
0x81: {  	v57 =	vshll.u32 v3, $0x1  }
0x82: {  	v3 =	vand.u32 $0x7, v3;
	v4 =	vand.u32 $0xFFFFFFF0, v57  }
0x83: {  	v3 =	vor.u32 v3, v4  }
0x84: {  	v4 =	vperm.xlane v3, v0;
	_ =	sdelay $0x1  }
0x85: {  	v3 =	vperm.xlane v3, v2;
	v4 =	vadd.s32 v1, v4;
	_ =	sdelay $0x1  }
0x86: {  	v3 =	vadd.s32 v1, v3;
	_ =	sdelay $0x2  }
0x87: {  	[tilespmem:s17], [sflag:$0x1] =	stream.indirect_vreg.gather [hbm4b:s2+s3], $0x80, v4, vm0, $0xb8;
	[tilespmem:$0x10100] =	vst v63  }
0x88: {  	_ = 	snop  }
0x89: {  	[tilespmem:s18], [sflag:$0x1] =	stream.indirect_vreg.gather [hbm4b:s2+s3], $0x80, v3, vm0, $0xb8;
	[tilespmem:$0x10100] =	vst v63  }
0x8a: {  	v3 =	vld [tilespmem:$0xA0];
	_ =	sdelay $0x4  }
0x8b: {  	v58 =	vshll.u32 v3, $0x1  }
0x8c: {  	v3 =	vand.u32 $0x7, v3;
	v4 =	vand.u32 $0xFFFFFFF0, v58  }
0x8d: {  	v3 =	vor.u32 v3, v4  }
0x8e: {  	v4 =	vperm.xlane v3, v0;
	_ =	sdelay $0x1  }
0x8f: {  	v3 =	vperm.xlane v3, v2;
	v4 =	vadd.s32 v1, v4;
	_ =	sdelay $0x1  }
0x90: {  	v3 =	vadd.s32 v1, v3;
	_ =	sdelay $0x2  }
0x91: {  	[tilespmem:s19], [sflag:$0x1] =	stream.indirect_vreg.gather [hbm4b:s2+s3], $0x80, v4, vm0, $0xb8;
	[tilespmem:$0x10100] =	vst v63  }
0x92: {  	_ = 	snop  }
0x93: {  	[tilespmem:s20], [sflag:$0x1] =	stream.indirect_vreg.gather [hbm4b:s2+s3], $0x80, v3, vm0, $0xb8;
	[tilespmem:$0x10100] =	vst v63  }
0x94: {  	v3 =	vld [tilespmem:$0xB0];
	_ =	sdelay $0x4  }
0x95: {  	v59 =	vshll.u32 v3, $0x1  }
0x96: {  	v3 =	vand.u32 $0x7, v3;
	v4 =	vand.u32 $0xFFFFFFF0, v59  }
0x97: {  	v3 =	vor.u32 v3, v4  }
0x98: {  	v4 =	vperm.xlane v3, v0;
	_ =	sdelay $0x1  }
0x99: {  	v3 =	vperm.xlane v3, v2;
	v4 =	vadd.s32 v1, v4;
	_ =	sdelay $0x1  }
0x9a: {  	v3 =	vadd.s32 v1, v3;
	_ =	sdelay $0x2  }
0x9b: {  	[tilespmem:s21], [sflag:$0x1] =	stream.indirect_vreg.gather [hbm4b:s2+s3], $0x80, v4, vm0, $0xb8;
	[tilespmem:$0x10100] =	vst v63  }
0x9c: {  	_ = 	snop  }
0x9d: {  	[tilespmem:s22], [sflag:$0x1] =	stream.indirect_vreg.gather [hbm4b:s2+s3], $0x80, v3, vm0, $0xb8;
	[tilespmem:$0x10100] =	vst v63  }
0x9e: {  	v3 =	vld [tilespmem:$0xC0];
	_ =	sdelay $0x4  }
0x9f: {  	v60 =	vshll.u32 v3, $0x1  }
0xa0: {  	v3 =	vand.u32 $0x7, v3;
	v4 =	vand.u32 $0xFFFFFFF0, v60  }
0xa1: {  	v3 =	vor.u32 v3, v4  }
0xa2: {  	v4 =	vperm.xlane v3, v0;
	_ =	sdelay $0x1  }
0xa3: {  	v3 =	vperm.xlane v3, v2;
	v4 =	vadd.s32 v1, v4;
	_ =	sdelay $0x1  }
0xa4: {  	v3 =	vadd.s32 v1, v3;
	_ =	sdelay $0x2  }
0xa5: {  	[tilespmem:s23], [sflag:$0x1] =	stream.indirect_vreg.gather [hbm4b:s2+s3], $0x80, v4, vm0, $0xb8;
	[tilespmem:$0x10100] =	vst v63  }
0xa6: {  	_ = 	snop  }
0xa7: {  	[tilespmem:s24], [sflag:$0x1] =	stream.indirect_vreg.gather [hbm4b:s2+s3], $0x80, v3, vm0, $0xb8;
	[tilespmem:$0x10100] =	vst v63  }
0xa8: {  	v3 =	vld [tilespmem:$0xD0];
	_ =	sdelay $0x4  }
0xa9: {  	v61 =	vshll.u32 v3, $0x1  }
0xaa: {  	v3 =	vand.u32 $0x7, v3;
	v4 =	vand.u32 $0xFFFFFFF0, v61  }
0xab: {  	v3 =	vor.u32 v3, v4  }
0xac: {  	v4 =	vperm.xlane v3, v0;
	_ =	sdelay $0x1  }
0xad: {  	v3 =	vperm.xlane v3, v2;
	v4 =	vadd.s32 v1, v4;
	_ =	sdelay $0x1  }
0xae: {  	v3 =	vadd.s32 v1, v3;
	_ =	sdelay $0x2  }
0xaf: {  	[tilespmem:s25], [sflag:$0x1] =	stream.indirect_vreg.gather [hbm4b:s2+s3], $0x80, v4, vm0, $0xb8;
	[tilespmem:$0x10100] =	vst v63  }
0xb0: {  	_ = 	snop  }
0xb1: {  	[tilespmem:s26], [sflag:$0x1] =	stream.indirect_vreg.gather [hbm4b:s2+s3], $0x80, v3, vm0, $0xb8;
	[tilespmem:$0x10100] =	vst v63  }
0xb2: {  	v3 =	vld [tilespmem:$0xE0];
	_ =	sdelay $0x4  }
0xb3: {  	v62 =	vshll.u32 v3, $0x1  }
0xb4: {  	v3 =	vand.u32 $0x7, v3;
	v4 =	vand.u32 $0xFFFFFFF0, v62  }
0xb5: {  	v3 =	vor.u32 v3, v4  }
0xb6: {  	v4 =	vperm.xlane v3, v0;
	_ =	sdelay $0x1  }
0xb7: {  	v3 =	vperm.xlane v3, v2;
	v4 =	vadd.s32 v1, v4;
	_ =	sdelay $0x1  }
0xb8: {  	v3 =	vadd.s32 v1, v3;
	_ =	sdelay $0x2  }
0xb9: {  	[tilespmem:s28], [sflag:$0x1] =	stream.indirect_vreg.gather [hbm4b:s2+s3], $0x80, v4, vm0, $0xb8;
	[tilespmem:$0x10100] =	vst v63  }
0xba: {  	_ = 	snop  }
0xbb: {  	[tilespmem:s29], [sflag:$0x1] =	stream.indirect_vreg.gather [hbm4b:s2+s3], $0x80, v3, vm0, $0xb8;
	[tilespmem:$0x10100] =	vst v63  }
0xbc: {  	v3 =	vld [tilespmem:$0xF0];
	_ =	sdelay $0x4  }
0xbd: {  	v63 =	vshll.u32 v3, $0x1  }
0xbe: {  	v3 =	vand.u32 $0x7, v3;
	v4 =	vand.u32 $0xFFFFFFF0, v63  }
0xbf: {  	v3 =	vor.u32 v3, v4  }
0xc0: {  	v4 =	vperm.xlane v3, v0;
	_ =	sdelay $0x1  }
0xc1: {  	v3 =	vperm.xlane v3, v2;
	v4 =	vadd.s32 v1, v4;
	_ =	sdelay $0x1  }
0xc2: {  	v3 =	vadd.s32 v1, v3;
	_ =	sdelay $0x2  }
0xc3: {  	[tilespmem:s30], [sflag:$0x1] =	stream.indirect_vreg.gather [hbm4b:s2+s3], $0x80, v4, vm0, $0xb8;
	[tilespmem:$0x10100] =	vst v63  }
0xc4: {  	_ = 	snop  }
0xc5: {  	[tilespmem:s31], [sflag:$0x1] =	stream.indirect_vreg.gather [hbm4b:s2+s3], $0x80, v3, vm0, $0xb8;
	[tilespmem:$0x10100] =	vst v63  }
0xc6: {  	_ =	swait.ge [sflag:s1], $0x8000  }
0xc7: {  	[sflag:s1] =	ssyncset.done $0x0  }
0xc8: {  	[sflag:s1] =	ssyncadd.s32 $0xFFFF8000  }
0xc9: {  	[hbm4b:s4+s3] =	stream.linear.scatter [tilespmem:s7], [sflag:$0x2], $0x8000, $0x38;
	[tilespmem:$0x10100] =	vst v63  }
0xca: {  	_ =	swait.ge [sflag:s6], $0x8000  }
0xcb: {  	[sflag:s6] =	ssyncset.done $0x0  }
0xcc: {  	[sflag:s6] =	ssyncadd.s32 $0xFFFF8000  }
0xcd: {  	_ =	swait.ge [sflag:s1], $0x8000  }
0xce: {  	p0 =	sne.s32 s5, $0x1;
	[sflag:s1] =	ssyncset.done $0x0  }
.Ltmp0:
0xcf: {  	s8 =	rddreg [dreg:$0x6];
	[sflag:s1] =	ssyncadd.s32 $0xFFFF8000;
	(pc) =	sbr.rel @p0 .LBB2_1-.Ltmp0, $4  }
0xd0: {  	[hbm4b:s8+s3] =	stream.linear.scatter [tilespmem:s15], [sflag:$0x2], $0x8000, $0x38;
	[tilespmem:$0x10100] =	vst v63  }
0xd1: {  	_ =	swait.ge [sflag:s6], $0x8000  }
0xd2: {  	[sflag:s6] =	ssyncset.done $0x0  }
0xd3: {  	s5 =	sadd.s32 $0xFFFFFFFF, s5;
	[sflag:s6] =	ssyncadd.s32 $0xFFFF8000  }
0xd4: {  	_ =	sfence.sel $0x180000  }
0xd5: {  	[bflag:$0x0] =	sbarrier.arrive $0xFFFF  }
0xd6: {  	_ =	strace $0x90000047  }
0xd7: {  	s0 =	stileid.u32;
	[bflag:$0x2] =	sbarrier.arrive $0xFFFF  }
0xd8: {  	p0 =	sne.s32 s0, $0x0;
	s0 =	rddreg [dreg:$0x3]  }
0xd9: {  	s0 =	sadd.s32 @!p0 $0x100000, s0  }
0xda: {  	[sflag:s0] =	ssyncadd.tile.s32 @!p0 $0x1;
	_ =	shalt  }
.Lfunc_end2:
_tile_overlayer_lowered:
.L_overlay_start_2:
0xdb: {  	(tag) =	ssettag $0x2  }
0xdc: {  	s0 =	rddreg [dreg:$0x0];
	s2 =	stileid.u32  }
0xdd: {  	s1 =	rddreg [dreg:$0x1];
	p0 =	sne.s32 s2, $0x0  }
0xde: {  	s3 =	rddreg [dreg:$0x2];
	[bflag:$0x3] =	sbarrier.arrive $0xFFFF;
	s2 =	simm.s32 @!p0 $0x1C02  }
0xdf: {  	[timem:s3], [sflag:s2] =	dma.local @!p0 [hbm:s0], s1  }
0xe0: {  	s0 =	simm.s32 @!p0 $0x2  }
0xe1: {  	_ =	swait.ge @!p0 [sflag:s0], s1  }
0xe2: {  	s1 =	ssub.s32 @!p0 $0x0, s1;
	[sflag:s0] =	ssyncset.done @!p0 $0x0  }
0xe3: {  	[sflag:s0] =	ssyncadd.s32 @!p0 s1  }
0xe4: {  	[bflag:$0x3] =	sbarrier.arrive $0xFFFF  }
0xe5: {  	_ =	shalt  }

</sc_bundles>
